<compile_context>
chip_gen: v7x
topology: tpu7x:2x2x1
jax: 0.10.2.dev20260603
libtpu: 0.0.44.dev20260713+nightly
codegen_flags: <defaults>
</compile_context>

<pallas_src>
import functools

import jax
import jax.numpy as jnp
from jax import lax
from jax.experimental import pallas as pl
from jax.experimental.pallas import tpu as pltpu
from jax.experimental.pallas import tpu_sc as plsc

_NUM_CORES = 2
_NUM_SUBCORES = 16
_NUM_WORKERS = _NUM_CORES * _NUM_SUBCORES
_PAD = 128

_GRP = 4
_NBUF = 2


def _make_lookup(num_rows: int, dim: int, s0: int, s1: int):
  assert s0 % _NUM_WORKERS == 0
  rows_per_w = s0 // _NUM_WORKERS
  assert rows_per_w % (_GRP * _NBUF) == 0
  n_groups = rows_per_w // (_GRP * _NBUF)
  assert s1 % 8 == 0

  mesh = plsc.VectorSubcoreMesh(
      core_axis_name="c", subcore_axis_name="s", num_cores=_NUM_CORES)

  @functools.partial(
      pl.kernel,
      mesh=mesh,
      compiler_params=pltpu.CompilerParams(use_tc_tiling_on_sc=False),
      out_type=jax.ShapeDtypeStruct((s0, s1, _PAD), jnp.float32),
      scratch_types=[
          pltpu.VMEM((rows_per_w, s1), jnp.int32),
          pltpu.VMEM((_NBUF, _GRP, s1, dim), jnp.float32),
          pltpu.SemaphoreType.DMA,
          pltpu.SemaphoreType.DMA,
      ],
  )
  def lookup(table_hbm, idx_hbm, out_hbm, idx_v, rows_v, gsem0, gsem1):
    gsems = (gsem0, gsem1)
    wid = lax.axis_index("s") * _NUM_CORES + lax.axis_index("c")
    wbase = wid * rows_per_w
    pltpu.sync_copy(idx_hbm.at[pl.ds(wbase, rows_per_w)], idx_v)

    @pl.loop(0, n_groups)
    def _group(g):
      descs = [[] for _ in range(_NBUF)]
      for b in range(_NBUF):
        for j in range(_GRP):
          row = (g * _NBUF + b) * _GRP + j
          descs[b].append(
              pltpu.async_copy(
                  table_hbm.at[idx_v.at[row]],
                  rows_v.at[b].at[j], gsems[b]))
      for b in range(_NBUF):
        for d in descs[b]:
          d.wait()
        row0 = (g * _NBUF + b) * _GRP
        pltpu.sync_copy(
            rows_v.at[b],
            out_hbm.at[pl.ds(wbase + row0, _GRP), :, pl.ds(0, dim)])

  return lookup


def kernel(token_ids, embedding_matrix):
  s0, s1 = token_ids.shape
  num_rows, dim = embedding_matrix.shape
  idx2 = token_ids.astype(jnp.int32) * 2
  proj = jnp.eye(dim, _PAD, dtype=jnp.float32)
  tbl = jax.lax.dot(embedding_matrix, proj,
                    precision=(jax.lax.Precision.HIGH, jax.lax.Precision.DEFAULT))
  tbl2 = tbl.reshape(num_rows * 2, dim)
  lookup = _make_lookup(num_rows, dim, s0, s1)
  padded = lookup(tbl2, idx2)
  return padded[:, :, :dim]

# --- scband reference (transcript-rebuilt; emitter-appended) ---
"""Pipeline reference for scband-embedding-47768626266398 (READ-ONLY COPY).

The authoritative reference and input builder live on the scoring server;
editing this copy changes nothing except your own understanding.
"""

import jax, jax.numpy as jnp
import numpy as np

NUM_EMBEDDINGS = 1000000
EMBEDDING_DIM = 64

def setup_inputs(seed: int = 0) -> dict:
    key = jax.random.key(seed)
    k_idx, k_w = jax.random.split(key)
    token_ids = jax.random.randint(k_idx, (4096, 200), 0, NUM_EMBEDDINGS, dtype=jnp.int64)
    # trunc_normal_(mean=0, std=1, a=-3, b=3)
    embedding_matrix = jax.random.truncated_normal(k_w, -3.0, 3.0, (NUM_EMBEDDINGS, EMBEDDING_DIM), dtype=jnp.float32)
    return {"token_ids": token_ids, "embedding_matrix": embedding_matrix}

def reference(token_ids, embedding_matrix):
    # forward: self.embedding_matrix[token_ids]
    return jnp.take(embedding_matrix, token_ids, axis=0)

if __name__ == "__main__":
    import jax
    _d = setup_inputs()
    print(jax.jit(kernel)(*tuple(_d.values())))

</pallas_src>

<mosaic_0001>
#map = affine_map<(d0, d1) -> (0, 0)>
#map1 = affine_map<(d0, d1) -> (0, 0, 0)>
module attributes {stable_mosaic.version = 14 : i64} {
  func.func @lookup(%arg0: i32, %arg1: i32, %arg2: memref<2000000x64xf32, #tpu.memory_space<hbm>>, %arg3: memref<4096x200xi32, #tpu.memory_space<hbm>>, %arg4: memref<4096x200x128xf32, #tpu.memory_space<hbm>>, %arg5: memref<128x200xi32, #tpu.memory_space<vmem>>, %arg6: memref<2x4x200x64xf32, #tpu.memory_space<vmem>>, %arg7: memref<!tpu.dma_semaphore, #tpu.memory_space<semaphore_mem>>, %arg8: memref<!tpu.dma_semaphore, #tpu.memory_space<semaphore_mem>>) attributes {dimension_semantics = [#tpu.dimension_semantics<core_parallel>, #tpu.dimension_semantics<subcore_parallel>], iteration_bounds = array<i64: 2, 16>, scalar_prefetch = 0 : i64, scratch_operands = 4 : i64, tpu.core_type = #tpu.core_type<sc_vector_subcore>, window_params = [{transform_indices = #map}, {transform_indices = #map}, {transform_indices = #map1}]} {
    %mul3A = arith.constant 2 : i32
    %mul3A_0 = arith.muli %arg1, %mul3A : i32
    %add3A = arith.addi %mul3A_0, %arg0 : i32
    %mul3A_1 = arith.constant 128 : i32
    %mul3A_2 = arith.muli %add3A, %mul3A_1 : i32
    "tpu.region"() ({
      %run_scoped3A = tpu.sem_alloc : memref<!tpu.dma_semaphore, #tpu.memory_space<semaphore_mem>>
      %dma_start3A = arith.constant 0 : i32
      %dma_start3A_7 = tpu.memref_slice %arg3[%mul3A_2, %dma_start3A] : memref<4096x200xi32, #tpu.memory_space<hbm>> -> memref<128x200xi32, #tpu.memory_space<hbm>>
      %dma_start3A_8 = arith.constant 0 : i32
      %dma_start3A_9 = tpu.memref_slice %arg3[%mul3A_2, %dma_start3A_8] : memref<4096x200xi32, #tpu.memory_space<hbm>> -> memref<128x200xi32, #tpu.memory_space<hbm>>
      tpu.enqueue_dma source(%dma_start3A_9 : memref<128x200xi32, #tpu.memory_space<hbm>>) target(%arg5 : memref<128x200xi32, #tpu.memory_space<vmem>>) target_semaphore(%run_scoped3A : memref<!tpu.dma_semaphore, #tpu.memory_space<semaphore_mem>>)
      %dma_wait3A = arith.constant 0 : i32
      %dma_wait3A_10 = tpu.memref_slice %arg3[%mul3A_2, %dma_wait3A] : memref<4096x200xi32, #tpu.memory_space<hbm>> -> memref<128x200xi32, #tpu.memory_space<hbm>>
      %dma_wait3A_11 = arith.constant 0 : i32
      %dma_wait3A_12 = tpu.memref_slice %arg3[%mul3A_2, %dma_wait3A_11] : memref<4096x200xi32, #tpu.memory_space<hbm>> -> memref<128x200xi32, #tpu.memory_space<hbm>>
      tpu.wait_dma2 semaphore(%run_scoped3A : memref<!tpu.dma_semaphore, #tpu.memory_space<semaphore_mem>>) src(%dma_wait3A_12 : memref<128x200xi32, #tpu.memory_space<hbm>>) dst(%arg5 : memref<128x200xi32, #tpu.memory_space<vmem>>)
      tpu.yield
    }) : () -> ()
    %scan3A = arith.constant 0 : i32
    %scan3A_3 = arith.constant 16 : i32
    %scan3A_4 = arith.addi %scan3A, %scan3A_3 : i32
    %scan3A_5 = arith.constant 1 : i32
    scf.for %scan3A_7 = %scan3A to %scan3A_4 step %scan3A_5  : i32 {
      %mul3A_8 = arith.constant 1 : i32
      %mul3A_9 = arith.muli %scan3A_7, %mul3A_8 : i32
      %add3A_10 = arith.constant 0 : i32
      %add3A_11 = arith.addi %add3A_10, %mul3A_9 : i32
      %mul3A_12 = arith.constant 2 : i32
      %mul3A_13 = arith.muli %add3A_11, %mul3A_12 : i32
      %add3A_14 = arith.constant 0 : i32
      %add3A_15 = arith.addi %mul3A_13, %add3A_14 : i32
      %mul3A_16 = arith.constant 4 : i32
      %mul3A_17 = arith.muli %add3A_15, %mul3A_16 : i32
      %add3A_18 = arith.constant 0 : i32
      %add3A_19 = arith.addi %mul3A_17, %add3A_18 : i32
      %dma_start3A = arith.constant 0 : i32
      %dma_start3A_20 = arith.constant 0 : i32
      %dma_start3A_21 = arith.constant 0 : i32
      %dma_start3A_22 = arith.constant 0 : i32
      %dma_start3A_23 = arith.constant 0 : i32
      %dma_start3A_24 = tpu.memref_slice %arg6[%dma_start3A, %dma_start3A_21, %dma_start3A_22, %dma_start3A_23] : memref<2x4x200x64xf32, #tpu.memory_space<vmem>> -> memref<1x4x200x64xf32, #tpu.memory_space<vmem>>
      %dma_start3A_25 = tpu.memref_squeeze %dma_start3A_24 : memref<1x4x200x64xf32, #tpu.memory_space<vmem>> -> memref<4x200x64xf32, #tpu.memory_space<vmem>>
      %dma_start3A_26 = arith.constant 0 : i32
      %dma_start3A_27 = arith.constant 0 : i32
      %dma_start3A_28 = tpu.memref_slice %dma_start3A_25[%dma_start3A_20, %dma_start3A_26, %dma_start3A_27] : memref<4x200x64xf32, #tpu.memory_space<vmem>> -> memref<1x200x64xf32, #tpu.memory_space<vmem>>
      %dma_start3A_29 = tpu.memref_squeeze %dma_start3A_28 : memref<1x200x64xf32, #tpu.memory_space<vmem>> -> memref<200x64xf32, #tpu.memory_space<vmem>>
      %dma_start3A_30 = arith.constant 0 : i32
      %dma_start3A_31 = tpu.memref_slice %arg5[%add3A_19, %dma_start3A_30] : memref<128x200xi32, #tpu.memory_space<vmem>> -> memref<1x200xi32, #tpu.memory_space<vmem>>
      %dma_start3A_32 = tpu.memref_squeeze %dma_start3A_31 : memref<1x200xi32, #tpu.memory_space<vmem>> -> memref<200xi32, #tpu.memory_space<vmem>>
      %dma_start3A_33 = arith.constant 0 : i32
      %dma_start3A_34 = arith.constant 0 : i32
      %dma_start3A_35 = tpu.memref_slice %arg2[%dma_start3A_33, %dma_start3A_34] : memref<2000000x64xf32, #tpu.memory_space<hbm>> -> memref<2000000x64xf32, #tpu.memory_space<hbm>>
      tpu.enqueue_indirect_dma source(%dma_start3A_35 : memref<2000000x64xf32, #tpu.memory_space<hbm>>) target(%dma_start3A_29 : memref<200x64xf32, #tpu.memory_space<vmem>>) offsets(%dma_start3A_32 : memref<200xi32, #tpu.memory_space<vmem>>) semaphore(%arg7 : memref<!tpu.dma_semaphore, #tpu.memory_space<semaphore_mem>>)
      %mul3A_36 = arith.constant 2 : i32
      %mul3A_37 = arith.muli %add3A_11, %mul3A_36 : i32
      %add3A_38 = arith.constant 0 : i32
      %add3A_39 = arith.addi %mul3A_37, %add3A_38 : i32
      %mul3A_40 = arith.constant 4 : i32
      %mul3A_41 = arith.muli %add3A_39, %mul3A_40 : i32
      %add3A_42 = arith.constant 1 : i32
      %add3A_43 = arith.addi %mul3A_41, %add3A_42 : i32
      %dma_start3A_44 = arith.constant 0 : i32
      %dma_start3A_45 = arith.constant 1 : i32
      %dma_start3A_46 = arith.constant 0 : i32
      %dma_start3A_47 = arith.constant 0 : i32
      %dma_start3A_48 = arith.constant 0 : i32
      %dma_start3A_49 = tpu.memref_slice %arg6[%dma_start3A_44, %dma_start3A_46, %dma_start3A_47, %dma_start3A_48] : memref<2x4x200x64xf32, #tpu.memory_space<vmem>> -> memref<1x4x200x64xf32, #tpu.memory_space<vmem>>
      %dma_start3A_50 = tpu.memref_squeeze %dma_start3A_49 : memref<1x4x200x64xf32, #tpu.memory_space<vmem>> -> memref<4x200x64xf32, #tpu.memory_space<vmem>>
      %dma_start3A_51 = arith.constant 0 : i32
      %dma_start3A_52 = arith.constant 0 : i32
      %dma_start3A_53 = tpu.memref_slice %dma_start3A_50[%dma_start3A_45, %dma_start3A_51, %dma_start3A_52] : memref<4x200x64xf32, #tpu.memory_space<vmem>> -> memref<1x200x64xf32, #tpu.memory_space<vmem>>
      %dma_start3A_54 = tpu.memref_squeeze %dma_start3A_53 : memref<1x200x64xf32, #tpu.memory_space<vmem>> -> memref<200x64xf32, #tpu.memory_space<vmem>>
      %dma_start3A_55 = arith.constant 0 : i32
      %dma_start3A_56 = tpu.memref_slice %arg5[%add3A_43, %dma_start3A_55] : memref<128x200xi32, #tpu.memory_space<vmem>> -> memref<1x200xi32, #tpu.memory_space<vmem>>
      %dma_start3A_57 = tpu.memref_squeeze %dma_start3A_56 : memref<1x200xi32, #tpu.memory_space<vmem>> -> memref<200xi32, #tpu.memory_space<vmem>>
      %dma_start3A_58 = arith.constant 0 : i32
      %dma_start3A_59 = arith.constant 0 : i32
      %dma_start3A_60 = tpu.memref_slice %arg2[%dma_start3A_58, %dma_start3A_59] : memref<2000000x64xf32, #tpu.memory_space<hbm>> -> memref<2000000x64xf32, #tpu.memory_space<hbm>>
      tpu.enqueue_indirect_dma source(%dma_start3A_60 : memref<2000000x64xf32, #tpu.memory_space<hbm>>) target(%dma_start3A_54 : memref<200x64xf32, #tpu.memory_space<vmem>>) offsets(%dma_start3A_57 : memref<200xi32, #tpu.memory_space<vmem>>) semaphore(%arg7 : memref<!tpu.dma_semaphore, #tpu.memory_space<semaphore_mem>>)
      %mul3A_61 = arith.constant 2 : i32
      %mul3A_62 = arith.muli %add3A_11, %mul3A_61 : i32
      %add3A_63 = arith.constant 0 : i32
      %add3A_64 = arith.addi %mul3A_62, %add3A_63 : i32
      %mul3A_65 = arith.constant 4 : i32
      %mul3A_66 = arith.muli %add3A_64, %mul3A_65 : i32
      %add3A_67 = arith.constant 2 : i32
      %add3A_68 = arith.addi %mul3A_66, %add3A_67 : i32
      %dma_start3A_69 = arith.constant 0 : i32
      %dma_start3A_70 = arith.constant 2 : i32
      %dma_start3A_71 = arith.constant 0 : i32
      %dma_start3A_72 = arith.constant 0 : i32
      %dma_start3A_73 = arith.constant 0 : i32
      %dma_start3A_74 = tpu.memref_slice %arg6[%dma_start3A_69, %dma_start3A_71, %dma_start3A_72, %dma_start3A_73] : memref<2x4x200x64xf32, #tpu.memory_space<vmem>> -> memref<1x4x200x64xf32, #tpu.memory_space<vmem>>
      %dma_start3A_75 = tpu.memref_squeeze %dma_start3A_74 : memref<1x4x200x64xf32, #tpu.memory_space<vmem>> -> memref<4x200x64xf32, #tpu.memory_space<vmem>>
      %dma_start3A_76 = arith.constant 0 : i32
      %dma_start3A_77 = arith.constant 0 : i32
      %dma_start3A_78 = tpu.memref_slice %dma_start3A_75[%dma_start3A_70, %dma_start3A_76, %dma_start3A_77] : memref<4x200x64xf32, #tpu.memory_space<vmem>> -> memref<1x200x64xf32, #tpu.memory_space<vmem>>
      %dma_start3A_79 = tpu.memref_squeeze %dma_start3A_78 : memref<1x200x64xf32, #tpu.memory_space<vmem>> -> memref<200x64xf32, #tpu.memory_space<vmem>>
      %dma_start3A_80 = arith.constant 0 : i32
      %dma_start3A_81 = tpu.memref_slice %arg5[%add3A_68, %dma_start3A_80] : memref<128x200xi32, #tpu.memory_space<vmem>> -> memref<1x200xi32, #tpu.memory_space<vmem>>
      %dma_start3A_82 = tpu.memref_squeeze %dma_start3A_81 : memref<1x200xi32, #tpu.memory_space<vmem>> -> memref<200xi32, #tpu.memory_space<vmem>>
      %dma_start3A_83 = arith.constant 0 : i32
      %dma_start3A_84 = arith.constant 0 : i32
      %dma_start3A_85 = tpu.memref_slice %arg2[%dma_start3A_83, %dma_start3A_84] : memref<2000000x64xf32, #tpu.memory_space<hbm>> -> memref<2000000x64xf32, #tpu.memory_space<hbm>>
      tpu.enqueue_indirect_dma source(%dma_start3A_85 : memref<2000000x64xf32, #tpu.memory_space<hbm>>) target(%dma_start3A_79 : memref<200x64xf32, #tpu.memory_space<vmem>>) offsets(%dma_start3A_82 : memref<200xi32, #tpu.memory_space<vmem>>) semaphore(%arg7 : memref<!tpu.dma_semaphore, #tpu.memory_space<semaphore_mem>>)
      %mul3A_86 = arith.constant 2 : i32
      %mul3A_87 = arith.muli %add3A_11, %mul3A_86 : i32
      %add3A_88 = arith.constant 0 : i32
      %add3A_89 = arith.addi %mul3A_87, %add3A_88 : i32
      %mul3A_90 = arith.constant 4 : i32
      %mul3A_91 = arith.muli %add3A_89, %mul3A_90 : i32
      %add3A_92 = arith.constant 3 : i32
      %add3A_93 = arith.addi %mul3A_91, %add3A_92 : i32
      %dma_start3A_94 = arith.constant 0 : i32
      %dma_start3A_95 = arith.constant 3 : i32
      %dma_start3A_96 = arith.constant 0 : i32
      %dma_start3A_97 = arith.constant 0 : i32
      %dma_start3A_98 = arith.constant 0 : i32
      %dma_start3A_99 = tpu.memref_slice %arg6[%dma_start3A_94, %dma_start3A_96, %dma_start3A_97, %dma_start3A_98] : memref<2x4x200x64xf32, #tpu.memory_space<vmem>> -> memref<1x4x200x64xf32, #tpu.memory_space<vmem>>
      %dma_start3A_100 = tpu.memref_squeeze %dma_start3A_99 : memref<1x4x200x64xf32, #tpu.memory_space<vmem>> -> memref<4x200x64xf32, #tpu.memory_space<vmem>>
      %dma_start3A_101 = arith.constant 0 : i32
      %dma_start3A_102 = arith.constant 0 : i32
      %dma_start3A_103 = tpu.memref_slice %dma_start3A_100[%dma_start3A_95, %dma_start3A_101, %dma_start3A_102] : memref<4x200x64xf32, #tpu.memory_space<vmem>> -> memref<1x200x64xf32, #tpu.memory_space<vmem>>
      %dma_start3A_104 = tpu.memref_squeeze %dma_start3A_103 : memref<1x200x64xf32, #tpu.memory_space<vmem>> -> memref<200x64xf32, #tpu.memory_space<vmem>>
      %dma_start3A_105 = arith.constant 0 : i32
      %dma_start3A_106 = tpu.memref_slice %arg5[%add3A_93, %dma_start3A_105] : memref<128x200xi32, #tpu.memory_space<vmem>> -> memref<1x200xi32, #tpu.memory_space<vmem>>
      %dma_start3A_107 = tpu.memref_squeeze %dma_start3A_106 : memref<1x200xi32, #tpu.memory_space<vmem>> -> memref<200xi32, #tpu.memory_space<vmem>>
      %dma_start3A_108 = arith.constant 0 : i32
      %dma_start3A_109 = arith.constant 0 : i32
      %dma_start3A_110 = tpu.memref_slice %arg2[%dma_start3A_108, %dma_start3A_109] : memref<2000000x64xf32, #tpu.memory_space<hbm>> -> memref<2000000x64xf32, #tpu.memory_space<hbm>>
      tpu.enqueue_indirect_dma source(%dma_start3A_110 : memref<2000000x64xf32, #tpu.memory_space<hbm>>) target(%dma_start3A_104 : memref<200x64xf32, #tpu.memory_space<vmem>>) offsets(%dma_start3A_107 : memref<200xi32, #tpu.memory_space<vmem>>) semaphore(%arg7 : memref<!tpu.dma_semaphore, #tpu.memory_space<semaphore_mem>>)
      %mul3A_111 = arith.constant 2 : i32
      %mul3A_112 = arith.muli %add3A_11, %mul3A_111 : i32
      %add3A_113 = arith.constant 1 : i32
      %add3A_114 = arith.addi %mul3A_112, %add3A_113 : i32
      %mul3A_115 = arith.constant 4 : i32
      %mul3A_116 = arith.muli %add3A_114, %mul3A_115 : i32
      %add3A_117 = arith.constant 0 : i32
      %add3A_118 = arith.addi %mul3A_116, %add3A_117 : i32
      %dma_start3A_119 = arith.constant 1 : i32
      %dma_start3A_120 = arith.constant 0 : i32
      %dma_start3A_121 = arith.constant 0 : i32
      %dma_start3A_122 = arith.constant 0 : i32
      %dma_start3A_123 = arith.constant 0 : i32
      %dma_start3A_124 = tpu.memref_slice %arg6[%dma_start3A_119, %dma_start3A_121, %dma_start3A_122, %dma_start3A_123] : memref<2x4x200x64xf32, #tpu.memory_space<vmem>> -> memref<1x4x200x64xf32, #tpu.memory_space<vmem>>
      %dma_start3A_125 = tpu.memref_squeeze %dma_start3A_124 : memref<1x4x200x64xf32, #tpu.memory_space<vmem>> -> memref<4x200x64xf32, #tpu.memory_space<vmem>>
      %dma_start3A_126 = arith.constant 0 : i32
      %dma_start3A_127 = arith.constant 0 : i32
      %dma_start3A_128 = tpu.memref_slice %dma_start3A_125[%dma_start3A_120, %dma_start3A_126, %dma_start3A_127] : memref<4x200x64xf32, #tpu.memory_space<vmem>> -> memref<1x200x64xf32, #tpu.memory_space<vmem>>
      %dma_start3A_129 = tpu.memref_squeeze %dma_start3A_128 : memref<1x200x64xf32, #tpu.memory_space<vmem>> -> memref<200x64xf32, #tpu.memory_space<vmem>>
      %dma_start3A_130 = arith.constant 0 : i32
      %dma_start3A_131 = tpu.memref_slice %arg5[%add3A_118, %dma_start3A_130] : memref<128x200xi32, #tpu.memory_space<vmem>> -> memref<1x200xi32, #tpu.memory_space<vmem>>
      %dma_start3A_132 = tpu.memref_squeeze %dma_start3A_131 : memref<1x200xi32, #tpu.memory_space<vmem>> -> memref<200xi32, #tpu.memory_space<vmem>>
      %dma_start3A_133 = arith.constant 0 : i32
      %dma_start3A_134 = arith.constant 0 : i32
      %dma_start3A_135 = tpu.memref_slice %arg2[%dma_start3A_133, %dma_start3A_134] : memref<2000000x64xf32, #tpu.memory_space<hbm>> -> memref<2000000x64xf32, #tpu.memory_space<hbm>>
      tpu.enqueue_indirect_dma source(%dma_start3A_135 : memref<2000000x64xf32, #tpu.memory_space<hbm>>) target(%dma_start3A_129 : memref<200x64xf32, #tpu.memory_space<vmem>>) offsets(%dma_start3A_132 : memref<200xi32, #tpu.memory_space<vmem>>) semaphore(%arg8 : memref<!tpu.dma_semaphore, #tpu.memory_space<semaphore_mem>>)
      %mul3A_136 = arith.constant 2 : i32
      %mul3A_137 = arith.muli %add3A_11, %mul3A_136 : i32
      %add3A_138 = arith.constant 1 : i32
      %add3A_139 = arith.addi %mul3A_137, %add3A_138 : i32
      %mul3A_140 = arith.constant 4 : i32
      %mul3A_141 = arith.muli %add3A_139, %mul3A_140 : i32
      %add3A_142 = arith.constant 1 : i32
      %add3A_143 = arith.addi %mul3A_141, %add3A_142 : i32
      %dma_start3A_144 = arith.constant 1 : i32
      %dma_start3A_145 = arith.constant 1 : i32
      %dma_start3A_146 = arith.constant 0 : i32
      %dma_start3A_147 = arith.constant 0 : i32
      %dma_start3A_148 = arith.constant 0 : i32
      %dma_start3A_149 = tpu.memref_slice %arg6[%dma_start3A_144, %dma_start3A_146, %dma_start3A_147, %dma_start3A_148] : memref<2x4x200x64xf32, #tpu.memory_space<vmem>> -> memref<1x4x200x64xf32, #tpu.memory_space<vmem>>
      %dma_start3A_150 = tpu.memref_squeeze %dma_start3A_149 : memref<1x4x200x64xf32, #tpu.memory_space<vmem>> -> memref<4x200x64xf32, #tpu.memory_space<vmem>>
      %dma_start3A_151 = arith.constant 0 : i32
      %dma_start3A_152 = arith.constant 0 : i32
      %dma_start3A_153 = tpu.memref_slice %dma_start3A_150[%dma_start3A_145, %dma_start3A_151, %dma_start3A_152] : memref<4x200x64xf32, #tpu.memory_space<vmem>> -> memref<1x200x64xf32, #tpu.memory_space<vmem>>
      %dma_start3A_154 = tpu.memref_squeeze %dma_start3A_153 : memref<1x200x64xf32, #tpu.memory_space<vmem>> -> memref<200x64xf32, #tpu.memory_space<vmem>>
      %dma_start3A_155 = arith.constant 0 : i32
      %dma_start3A_156 = tpu.memref_slice %arg5[%add3A_143, %dma_start3A_155] : memref<128x200xi32, #tpu.memory_space<vmem>> -> memref<1x200xi32, #tpu.memory_space<vmem>>
      %dma_start3A_157 = tpu.memref_squeeze %dma_start3A_156 : memref<1x200xi32, #tpu.memory_space<vmem>> -> memref<200xi32, #tpu.memory_space<vmem>>
      %dma_start3A_158 = arith.constant 0 : i32
      %dma_start3A_159 = arith.constant 0 : i32
      %dma_start3A_160 = tpu.memref_slice %arg2[%dma_start3A_158, %dma_start3A_159] : memref<2000000x64xf32, #tpu.memory_space<hbm>> -> memref<2000000x64xf32, #tpu.memory_space<hbm>>
      tpu.enqueue_indirect_dma source(%dma_start3A_160 : memref<2000000x64xf32, #tpu.memory_space<hbm>>) target(%dma_start3A_154 : memref<200x64xf32, #tpu.memory_space<vmem>>) offsets(%dma_start3A_157 : memref<200xi32, #tpu.memory_space<vmem>>) semaphore(%arg8 : memref<!tpu.dma_semaphore, #tpu.memory_space<semaphore_mem>>)
      %mul3A_161 = arith.constant 2 : i32
      %mul3A_162 = arith.muli %add3A_11, %mul3A_161 : i32
      %add3A_163 = arith.constant 1 : i32
      %add3A_164 = arith.addi %mul3A_162, %add3A_163 : i32
      %mul3A_165 = arith.constant 4 : i32
      %mul3A_166 = arith.muli %add3A_164, %mul3A_165 : i32
      %add3A_167 = arith.constant 2 : i32
      %add3A_168 = arith.addi %mul3A_166, %add3A_167 : i32
      %dma_start3A_169 = arith.constant 1 : i32
      %dma_start3A_170 = arith.constant 2 : i32
      %dma_start3A_171 = arith.constant 0 : i32
      %dma_start3A_172 = arith.constant 0 : i32
      %dma_start3A_173 = arith.constant 0 : i32
      %dma_start3A_174 = tpu.memref_slice %arg6[%dma_start3A_169, %dma_start3A_171, %dma_start3A_172, %dma_start3A_173] : memref<2x4x200x64xf32, #tpu.memory_space<vmem>> -> memref<1x4x200x64xf32, #tpu.memory_space<vmem>>
      %dma_start3A_175 = tpu.memref_squeeze %dma_start3A_174 : memref<1x4x200x64xf32, #tpu.memory_space<vmem>> -> memref<4x200x64xf32, #tpu.memory_space<vmem>>
      %dma_start3A_176 = arith.constant 0 : i32
      %dma_start3A_177 = arith.constant 0 : i32
      %dma_start3A_178 = tpu.memref_slice %dma_start3A_175[%dma_start3A_170, %dma_start3A_176, %dma_start3A_177] : memref<4x200x64xf32, #tpu.memory_space<vmem>> -> memref<1x200x64xf32, #tpu.memory_space<vmem>>
      %dma_start3A_179 = tpu.memref_squeeze %dma_start3A_178 : memref<1x200x64xf32, #tpu.memory_space<vmem>> -> memref<200x64xf32, #tpu.memory_space<vmem>>
      %dma_start3A_180 = arith.constant 0 : i32
      %dma_start3A_181 = tpu.memref_slice %arg5[%add3A_168, %dma_start3A_180] : memref<128x200xi32, #tpu.memory_space<vmem>> -> memref<1x200xi32, #tpu.memory_space<vmem>>
      %dma_start3A_182 = tpu.memref_squeeze %dma_start3A_181 : memref<1x200xi32, #tpu.memory_space<vmem>> -> memref<200xi32, #tpu.memory_space<vmem>>
      %dma_start3A_183 = arith.constant 0 : i32
      %dma_start3A_184 = arith.constant 0 : i32
      %dma_start3A_185 = tpu.memref_slice %arg2[%dma_start3A_183, %dma_start3A_184] : memref<2000000x64xf32, #tpu.memory_space<hbm>> -> memref<2000000x64xf32, #tpu.memory_space<hbm>>
      tpu.enqueue_indirect_dma source(%dma_start3A_185 : memref<2000000x64xf32, #tpu.memory_space<hbm>>) target(%dma_start3A_179 : memref<200x64xf32, #tpu.memory_space<vmem>>) offsets(%dma_start3A_182 : memref<200xi32, #tpu.memory_space<vmem>>) semaphore(%arg8 : memref<!tpu.dma_semaphore, #tpu.memory_space<semaphore_mem>>)
      %mul3A_186 = arith.constant 2 : i32
      %mul3A_187 = arith.muli %add3A_11, %mul3A_186 : i32
      %add3A_188 = arith.constant 1 : i32
      %add3A_189 = arith.addi %mul3A_187, %add3A_188 : i32
      %mul3A_190 = arith.constant 4 : i32
      %mul3A_191 = arith.muli %add3A_189, %mul3A_190 : i32
      %add3A_192 = arith.constant 3 : i32
      %add3A_193 = arith.addi %mul3A_191, %add3A_192 : i32
      %dma_start3A_194 = arith.constant 1 : i32
      %dma_start3A_195 = arith.constant 3 : i32
      %dma_start3A_196 = arith.constant 0 : i32
      %dma_start3A_197 = arith.constant 0 : i32
      %dma_start3A_198 = arith.constant 0 : i32
      %dma_start3A_199 = tpu.memref_slice %arg6[%dma_start3A_194, %dma_start3A_196, %dma_start3A_197, %dma_start3A_198] : memref<2x4x200x64xf32, #tpu.memory_space<vmem>> -> memref<1x4x200x64xf32, #tpu.memory_space<vmem>>
      %dma_start3A_200 = tpu.memref_squeeze %dma_start3A_199 : memref<1x4x200x64xf32, #tpu.memory_space<vmem>> -> memref<4x200x64xf32, #tpu.memory_space<vmem>>
      %dma_start3A_201 = arith.constant 0 : i32
      %dma_start3A_202 = arith.constant 0 : i32
      %dma_start3A_203 = tpu.memref_slice %dma_start3A_200[%dma_start3A_195, %dma_start3A_201, %dma_start3A_202] : memref<4x200x64xf32, #tpu.memory_space<vmem>> -> memref<1x200x64xf32, #tpu.memory_space<vmem>>
      %dma_start3A_204 = tpu.memref_squeeze %dma_start3A_203 : memref<1x200x64xf32, #tpu.memory_space<vmem>> -> memref<200x64xf32, #tpu.memory_space<vmem>>
      %dma_start3A_205 = arith.constant 0 : i32
      %dma_start3A_206 = tpu.memref_slice %arg5[%add3A_193, %dma_start3A_205] : memref<128x200xi32, #tpu.memory_space<vmem>> -> memref<1x200xi32, #tpu.memory_space<vmem>>
      %dma_start3A_207 = tpu.memref_squeeze %dma_start3A_206 : memref<1x200xi32, #tpu.memory_space<vmem>> -> memref<200xi32, #tpu.memory_space<vmem>>
      %dma_start3A_208 = arith.constant 0 : i32
      %dma_start3A_209 = arith.constant 0 : i32
      %dma_start3A_210 = tpu.memref_slice %arg2[%dma_start3A_208, %dma_start3A_209] : memref<2000000x64xf32, #tpu.memory_space<hbm>> -> memref<2000000x64xf32, #tpu.memory_space<hbm>>
      tpu.enqueue_indirect_dma source(%dma_start3A_210 : memref<2000000x64xf32, #tpu.memory_space<hbm>>) target(%dma_start3A_204 : memref<200x64xf32, #tpu.memory_space<vmem>>) offsets(%dma_start3A_207 : memref<200xi32, #tpu.memory_space<vmem>>) semaphore(%arg8 : memref<!tpu.dma_semaphore, #tpu.memory_space<semaphore_mem>>)
      %dma_wait3A = arith.constant 0 : i32
      %dma_wait3A_211 = arith.constant 0 : i32
      %dma_wait3A_212 = arith.constant 0 : i32
      %dma_wait3A_213 = arith.constant 0 : i32
      %dma_wait3A_214 = arith.constant 0 : i32
      %dma_wait3A_215 = tpu.memref_slice %arg6[%dma_wait3A, %dma_wait3A_212, %dma_wait3A_213, %dma_wait3A_214] : memref<2x4x200x64xf32, #tpu.memory_space<vmem>> -> memref<1x4x200x64xf32, #tpu.memory_space<vmem>>
      %dma_wait3A_216 = tpu.memref_squeeze %dma_wait3A_215 : memref<1x4x200x64xf32, #tpu.memory_space<vmem>> -> memref<4x200x64xf32, #tpu.memory_space<vmem>>
      %dma_wait3A_217 = arith.constant 0 : i32
      %dma_wait3A_218 = arith.constant 0 : i32
      %dma_wait3A_219 = tpu.memref_slice %dma_wait3A_216[%dma_wait3A_211, %dma_wait3A_217, %dma_wait3A_218] : memref<4x200x64xf32, #tpu.memory_space<vmem>> -> memref<1x200x64xf32, #tpu.memory_space<vmem>>
      %dma_wait3A_220 = tpu.memref_squeeze %dma_wait3A_219 : memref<1x200x64xf32, #tpu.memory_space<vmem>> -> memref<200x64xf32, #tpu.memory_space<vmem>>
      %dma_wait3A_221 = arith.constant 0 : i32
      %dma_wait3A_222 = tpu.memref_slice %arg5[%add3A_19, %dma_wait3A_221] : memref<128x200xi32, #tpu.memory_space<vmem>> -> memref<1x200xi32, #tpu.memory_space<vmem>>
      %dma_wait3A_223 = tpu.memref_squeeze %dma_wait3A_222 : memref<1x200xi32, #tpu.memory_space<vmem>> -> memref<200xi32, #tpu.memory_space<vmem>>
      %dma_wait3A_224 = arith.constant 0 : i32
      %dma_wait3A_225 = arith.constant 0 : i32
      %dma_wait3A_226 = tpu.memref_slice %arg2[%dma_wait3A_224, %dma_wait3A_225] : memref<2000000x64xf32, #tpu.memory_space<hbm>> -> memref<2000000x64xf32, #tpu.memory_space<hbm>>
      tpu.wait_indirect_dma semaphore(%arg7 : memref<!tpu.dma_semaphore, #tpu.memory_space<semaphore_mem>>) src(%dma_wait3A_226 : memref<2000000x64xf32, #tpu.memory_space<hbm>>) dst(%dma_wait3A_220 : memref<200x64xf32, #tpu.memory_space<vmem>>)
      %dma_wait3A_227 = arith.constant 0 : i32
      %dma_wait3A_228 = arith.constant 1 : i32
      %dma_wait3A_229 = arith.constant 0 : i32
      %dma_wait3A_230 = arith.constant 0 : i32
      %dma_wait3A_231 = arith.constant 0 : i32
      %dma_wait3A_232 = tpu.memref_slice %arg6[%dma_wait3A_227, %dma_wait3A_229, %dma_wait3A_230, %dma_wait3A_231] : memref<2x4x200x64xf32, #tpu.memory_space<vmem>> -> memref<1x4x200x64xf32, #tpu.memory_space<vmem>>
      %dma_wait3A_233 = tpu.memref_squeeze %dma_wait3A_232 : memref<1x4x200x64xf32, #tpu.memory_space<vmem>> -> memref<4x200x64xf32, #tpu.memory_space<vmem>>
      %dma_wait3A_234 = arith.constant 0 : i32
      %dma_wait3A_235 = arith.constant 0 : i32
      %dma_wait3A_236 = tpu.memref_slice %dma_wait3A_233[%dma_wait3A_228, %dma_wait3A_234, %dma_wait3A_235] : memref<4x200x64xf32, #tpu.memory_space<vmem>> -> memref<1x200x64xf32, #tpu.memory_space<vmem>>
      %dma_wait3A_237 = tpu.memref_squeeze %dma_wait3A_236 : memref<1x200x64xf32, #tpu.memory_space<vmem>> -> memref<200x64xf32, #tpu.memory_space<vmem>>
      %dma_wait3A_238 = arith.constant 0 : i32
      %dma_wait3A_239 = tpu.memref_slice %arg5[%add3A_43, %dma_wait3A_238] : memref<128x200xi32, #tpu.memory_space<vmem>> -> memref<1x200xi32, #tpu.memory_space<vmem>>
      %dma_wait3A_240 = tpu.memref_squeeze %dma_wait3A_239 : memref<1x200xi32, #tpu.memory_space<vmem>> -> memref<200xi32, #tpu.memory_space<vmem>>
      %dma_wait3A_241 = arith.constant 0 : i32
      %dma_wait3A_242 = arith.constant 0 : i32
      %dma_wait3A_243 = tpu.memref_slice %arg2[%dma_wait3A_241, %dma_wait3A_242] : memref<2000000x64xf32, #tpu.memory_space<hbm>> -> memref<2000000x64xf32, #tpu.memory_space<hbm>>
      tpu.wait_indirect_dma semaphore(%arg7 : memref<!tpu.dma_semaphore, #tpu.memory_space<semaphore_mem>>) src(%dma_wait3A_243 : memref<2000000x64xf32, #tpu.memory_space<hbm>>) dst(%dma_wait3A_237 : memref<200x64xf32, #tpu.memory_space<vmem>>)
      %dma_wait3A_244 = arith.constant 0 : i32
      %dma_wait3A_245 = arith.constant 2 : i32
      %dma_wait3A_246 = arith.constant 0 : i32
      %dma_wait3A_247 = arith.constant 0 : i32
      %dma_wait3A_248 = arith.constant 0 : i32
      %dma_wait3A_249 = tpu.memref_slice %arg6[%dma_wait3A_244, %dma_wait3A_246, %dma_wait3A_247, %dma_wait3A_248] : memref<2x4x200x64xf32, #tpu.memory_space<vmem>> -> memref<1x4x200x64xf32, #tpu.memory_space<vmem>>
      %dma_wait3A_250 = tpu.memref_squeeze %dma_wait3A_249 : memref<1x4x200x64xf32, #tpu.memory_space<vmem>> -> memref<4x200x64xf32, #tpu.memory_space<vmem>>
      %dma_wait3A_251 = arith.constant 0 : i32
      %dma_wait3A_252 = arith.constant 0 : i32
      %dma_wait3A_253 = tpu.memref_slice %dma_wait3A_250[%dma_wait3A_245, %dma_wait3A_251, %dma_wait3A_252] : memref<4x200x64xf32, #tpu.memory_space<vmem>> -> memref<1x200x64xf32, #tpu.memory_space<vmem>>
      %dma_wait3A_254 = tpu.memref_squeeze %dma_wait3A_253 : memref<1x200x64xf32, #tpu.memory_space<vmem>> -> memref<200x64xf32, #tpu.memory_space<vmem>>
      %dma_wait3A_255 = arith.constant 0 : i32
      %dma_wait3A_256 = tpu.memref_slice %arg5[%add3A_68, %dma_wait3A_255] : memref<128x200xi32, #tpu.memory_space<vmem>> -> memref<1x200xi32, #tpu.memory_space<vmem>>
      %dma_wait3A_257 = tpu.memref_squeeze %dma_wait3A_256 : memref<1x200xi32, #tpu.memory_space<vmem>> -> memref<200xi32, #tpu.memory_space<vmem>>
      %dma_wait3A_258 = arith.constant 0 : i32
      %dma_wait3A_259 = arith.constant 0 : i32
      %dma_wait3A_260 = tpu.memref_slice %arg2[%dma_wait3A_258, %dma_wait3A_259] : memref<2000000x64xf32, #tpu.memory_space<hbm>> -> memref<2000000x64xf32, #tpu.memory_space<hbm>>
      tpu.wait_indirect_dma semaphore(%arg7 : memref<!tpu.dma_semaphore, #tpu.memory_space<semaphore_mem>>) src(%dma_wait3A_260 : memref<2000000x64xf32, #tpu.memory_space<hbm>>) dst(%dma_wait3A_254 : memref<200x64xf32, #tpu.memory_space<vmem>>)
      %dma_wait3A_261 = arith.constant 0 : i32
      %dma_wait3A_262 = arith.constant 3 : i32
      %dma_wait3A_263 = arith.constant 0 : i32
      %dma_wait3A_264 = arith.constant 0 : i32
      %dma_wait3A_265 = arith.constant 0 : i32
      %dma_wait3A_266 = tpu.memref_slice %arg6[%dma_wait3A_261, %dma_wait3A_263, %dma_wait3A_264, %dma_wait3A_265] : memref<2x4x200x64xf32, #tpu.memory_space<vmem>> -> memref<1x4x200x64xf32, #tpu.memory_space<vmem>>
      %dma_wait3A_267 = tpu.memref_squeeze %dma_wait3A_266 : memref<1x4x200x64xf32, #tpu.memory_space<vmem>> -> memref<4x200x64xf32, #tpu.memory_space<vmem>>
      %dma_wait3A_268 = arith.constant 0 : i32
      %dma_wait3A_269 = arith.constant 0 : i32
      %dma_wait3A_270 = tpu.memref_slice %dma_wait3A_267[%dma_wait3A_262, %dma_wait3A_268, %dma_wait3A_269] : memref<4x200x64xf32, #tpu.memory_space<vmem>> -> memref<1x200x64xf32, #tpu.memory_space<vmem>>
      %dma_wait3A_271 = tpu.memref_squeeze %dma_wait3A_270 : memref<1x200x64xf32, #tpu.memory_space<vmem>> -> memref<200x64xf32, #tpu.memory_space<vmem>>
      %dma_wait3A_272 = arith.constant 0 : i32
      %dma_wait3A_273 = tpu.memref_slice %arg5[%add3A_93, %dma_wait3A_272] : memref<128x200xi32, #tpu.memory_space<vmem>> -> memref<1x200xi32, #tpu.memory_space<vmem>>
      %dma_wait3A_274 = tpu.memref_squeeze %dma_wait3A_273 : memref<1x200xi32, #tpu.memory_space<vmem>> -> memref<200xi32, #tpu.memory_space<vmem>>
      %dma_wait3A_275 = arith.constant 0 : i32
      %dma_wait3A_276 = arith.constant 0 : i32
      %dma_wait3A_277 = tpu.memref_slice %arg2[%dma_wait3A_275, %dma_wait3A_276] : memref<2000000x64xf32, #tpu.memory_space<hbm>> -> memref<2000000x64xf32, #tpu.memory_space<hbm>>
      tpu.wait_indirect_dma semaphore(%arg7 : memref<!tpu.dma_semaphore, #tpu.memory_space<semaphore_mem>>) src(%dma_wait3A_277 : memref<2000000x64xf32, #tpu.memory_space<hbm>>) dst(%dma_wait3A_271 : memref<200x64xf32, #tpu.memory_space<vmem>>)
      %mul3A_278 = arith.constant 2 : i32
      %mul3A_279 = arith.muli %add3A_11, %mul3A_278 : i32
      %add3A_280 = arith.constant 0 : i32
      %add3A_281 = arith.addi %mul3A_279, %add3A_280 : i32
      %mul3A_282 = arith.constant 4 : i32
      %mul3A_283 = arith.muli %add3A_281, %mul3A_282 : i32
      %add3A_284 = arith.addi %mul3A_2, %mul3A_283 : i32
      %run_scoped3A = arith.constant 0 : i32
      "tpu.region"() ({
        %run_scoped3A_361 = tpu.sem_alloc : memref<!tpu.dma_semaphore, #tpu.memory_space<semaphore_mem>>
        %dma_start3A_362 = arith.constant 0 : i32
        %dma_start3A_363 = arith.constant 0 : i32
        %dma_start3A_364 = arith.constant 0 : i32
        %dma_start3A_365 = tpu.memref_slice %arg6[%run_scoped3A, %dma_start3A_362, %dma_start3A_363, %dma_start3A_364] : memref<2x4x200x64xf32, #tpu.memory_space<vmem>> -> memref<1x4x200x64xf32, #tpu.memory_space<vmem>>
        %dma_start3A_366 = tpu.memref_squeeze %dma_start3A_365 : memref<1x4x200x64xf32, #tpu.memory_space<vmem>> -> memref<4x200x64xf32, #tpu.memory_space<vmem>>
        %dma_start3A_367 = arith.constant 0 : i32
        %dma_start3A_368 = arith.constant 0 : i32
        %dma_start3A_369 = tpu.memref_slice %arg4[%add3A_284, %dma_start3A_367, %dma_start3A_368] : memref<4096x200x128xf32, #tpu.memory_space<hbm>> -> memref<4x200x64xf32, #tpu.memory_space<hbm>>
        %dma_start3A_370 = arith.constant 0 : i32
        %dma_start3A_371 = arith.constant 0 : i32
        %dma_start3A_372 = tpu.memref_slice %arg4[%add3A_284, %dma_start3A_370, %dma_start3A_371] : memref<4096x200x128xf32, #tpu.memory_space<hbm>> -> memref<4x200x64xf32, #tpu.memory_space<hbm>>
        %dma_start3A_373 = arith.constant 0 : i32
        %dma_start3A_374 = arith.constant 0 : i32
        %dma_start3A_375 = arith.constant 0 : i32
        %dma_start3A_376 = tpu.memref_slice %arg6[%run_scoped3A, %dma_start3A_373, %dma_start3A_374, %dma_start3A_375] : memref<2x4x200x64xf32, #tpu.memory_space<vmem>> -> memref<1x4x200x64xf32, #tpu.memory_space<vmem>>
        %dma_start3A_377 = tpu.memref_squeeze %dma_start3A_376 : memref<1x4x200x64xf32, #tpu.memory_space<vmem>> -> memref<4x200x64xf32, #tpu.memory_space<vmem>>
        tpu.enqueue_dma source(%dma_start3A_377 : memref<4x200x64xf32, #tpu.memory_space<vmem>>) target(%dma_start3A_372 : memref<4x200x64xf32, #tpu.memory_space<hbm>>) target_semaphore(%run_scoped3A_361 : memref<!tpu.dma_semaphore, #tpu.memory_space<semaphore_mem>>)
        %dma_wait3A_378 = arith.constant 0 : i32
        %dma_wait3A_379 = arith.constant 0 : i32
        %dma_wait3A_380 = arith.constant 0 : i32
        %dma_wait3A_381 = tpu.memref_slice %arg6[%run_scoped3A, %dma_wait3A_378, %dma_wait3A_379, %dma_wait3A_380] : memref<2x4x200x64xf32, #tpu.memory_space<vmem>> -> memref<1x4x200x64xf32, #tpu.memory_space<vmem>>
        %dma_wait3A_382 = tpu.memref_squeeze %dma_wait3A_381 : memref<1x4x200x64xf32, #tpu.memory_space<vmem>> -> memref<4x200x64xf32, #tpu.memory_space<vmem>>
        %dma_wait3A_383 = arith.constant 0 : i32
        %dma_wait3A_384 = arith.constant 0 : i32
        %dma_wait3A_385 = tpu.memref_slice %arg4[%add3A_284, %dma_wait3A_383, %dma_wait3A_384] : memref<4096x200x128xf32, #tpu.memory_space<hbm>> -> memref<4x200x64xf32, #tpu.memory_space<hbm>>
        %dma_wait3A_386 = arith.constant 0 : i32
        %dma_wait3A_387 = arith.constant 0 : i32
        %dma_wait3A_388 = tpu.memref_slice %arg4[%add3A_284, %dma_wait3A_386, %dma_wait3A_387] : memref<4096x200x128xf32, #tpu.memory_space<hbm>> -> memref<4x200x64xf32, #tpu.memory_space<hbm>>
        %dma_wait3A_389 = arith.constant 0 : i32
        %dma_wait3A_390 = arith.constant 0 : i32
        %dma_wait3A_391 = arith.constant 0 : i32
        %dma_wait3A_392 = tpu.memref_slice %arg6[%run_scoped3A, %dma_wait3A_389, %dma_wait3A_390, %dma_wait3A_391] : memref<2x4x200x64xf32, #tpu.memory_space<vmem>> -> memref<1x4x200x64xf32, #tpu.memory_space<vmem>>
        %dma_wait3A_393 = tpu.memref_squeeze %dma_wait3A_392 : memref<1x4x200x64xf32, #tpu.memory_space<vmem>> -> memref<4x200x64xf32, #tpu.memory_space<vmem>>
        tpu.wait_dma2 semaphore(%run_scoped3A_361 : memref<!tpu.dma_semaphore, #tpu.memory_space<semaphore_mem>>) src(%dma_wait3A_393 : memref<4x200x64xf32, #tpu.memory_space<vmem>>) dst(%dma_wait3A_388 : memref<4x200x64xf32, #tpu.memory_space<hbm>>)
        tpu.yield
      }) : () -> ()
      %dma_wait3A_285 = arith.constant 1 : i32
      %dma_wait3A_286 = arith.constant 0 : i32
      %dma_wait3A_287 = arith.constant 0 : i32
      %dma_wait3A_288 = arith.constant 0 : i32
      %dma_wait3A_289 = arith.constant 0 : i32
      %dma_wait3A_290 = tpu.memref_slice %arg6[%dma_wait3A_285, %dma_wait3A_287, %dma_wait3A_288, %dma_wait3A_289] : memref<2x4x200x64xf32, #tpu.memory_space<vmem>> -> memref<1x4x200x64xf32, #tpu.memory_space<vmem>>
      %dma_wait3A_291 = tpu.memref_squeeze %dma_wait3A_290 : memref<1x4x200x64xf32, #tpu.memory_space<vmem>> -> memref<4x200x64xf32, #tpu.memory_space<vmem>>
      %dma_wait3A_292 = arith.constant 0 : i32
      %dma_wait3A_293 = arith.constant 0 : i32
      %dma_wait3A_294 = tpu.memref_slice %dma_wait3A_291[%dma_wait3A_286, %dma_wait3A_292, %dma_wait3A_293] : memref<4x200x64xf32, #tpu.memory_space<vmem>> -> memref<1x200x64xf32, #tpu.memory_space<vmem>>
      %dma_wait3A_295 = tpu.memref_squeeze %dma_wait3A_294 : memref<1x200x64xf32, #tpu.memory_space<vmem>> -> memref<200x64xf32, #tpu.memory_space<vmem>>
      %dma_wait3A_296 = arith.constant 0 : i32
      %dma_wait3A_297 = tpu.memref_slice %arg5[%add3A_118, %dma_wait3A_296] : memref<128x200xi32, #tpu.memory_space<vmem>> -> memref<1x200xi32, #tpu.memory_space<vmem>>
      %dma_wait3A_298 = tpu.memref_squeeze %dma_wait3A_297 : memref<1x200xi32, #tpu.memory_space<vmem>> -> memref<200xi32, #tpu.memory_space<vmem>>
      %dma_wait3A_299 = arith.constant 0 : i32
      %dma_wait3A_300 = arith.constant 0 : i32
      %dma_wait3A_301 = tpu.memref_slice %arg2[%dma_wait3A_299, %dma_wait3A_300] : memref<2000000x64xf32, #tpu.memory_space<hbm>> -> memref<2000000x64xf32, #tpu.memory_space<hbm>>
      tpu.wait_indirect_dma semaphore(%arg8 : memref<!tpu.dma_semaphore, #tpu.memory_space<semaphore_mem>>) src(%dma_wait3A_301 : memref<2000000x64xf32, #tpu.memory_space<hbm>>) dst(%dma_wait3A_295 : memref<200x64xf32, #tpu.memory_space<vmem>>)
      %dma_wait3A_302 = arith.constant 1 : i32
      %dma_wait3A_303 = arith.constant 1 : i32
      %dma_wait3A_304 = arith.constant 0 : i32
      %dma_wait3A_305 = arith.constant 0 : i32
      %dma_wait3A_306 = arith.constant 0 : i32
      %dma_wait3A_307 = tpu.memref_slice %arg6[%dma_wait3A_302, %dma_wait3A_304, %dma_wait3A_305, %dma_wait3A_306] : memref<2x4x200x64xf32, #tpu.memory_space<vmem>> -> memref<1x4x200x64xf32, #tpu.memory_space<vmem>>
      %dma_wait3A_308 = tpu.memref_squeeze %dma_wait3A_307 : memref<1x4x200x64xf32, #tpu.memory_space<vmem>> -> memref<4x200x64xf32, #tpu.memory_space<vmem>>
      %dma_wait3A_309 = arith.constant 0 : i32
      %dma_wait3A_310 = arith.constant 0 : i32
      %dma_wait3A_311 = tpu.memref_slice %dma_wait3A_308[%dma_wait3A_303, %dma_wait3A_309, %dma_wait3A_310] : memref<4x200x64xf32, #tpu.memory_space<vmem>> -> memref<1x200x64xf32, #tpu.memory_space<vmem>>
      %dma_wait3A_312 = tpu.memref_squeeze %dma_wait3A_311 : memref<1x200x64xf32, #tpu.memory_space<vmem>> -> memref<200x64xf32, #tpu.memory_space<vmem>>
      %dma_wait3A_313 = arith.constant 0 : i32
      %dma_wait3A_314 = tpu.memref_slice %arg5[%add3A_143, %dma_wait3A_313] : memref<128x200xi32, #tpu.memory_space<vmem>> -> memref<1x200xi32, #tpu.memory_space<vmem>>
      %dma_wait3A_315 = tpu.memref_squeeze %dma_wait3A_314 : memref<1x200xi32, #tpu.memory_space<vmem>> -> memref<200xi32, #tpu.memory_space<vmem>>
      %dma_wait3A_316 = arith.constant 0 : i32
      %dma_wait3A_317 = arith.constant 0 : i32
      %dma_wait3A_318 = tpu.memref_slice %arg2[%dma_wait3A_316, %dma_wait3A_317] : memref<2000000x64xf32, #tpu.memory_space<hbm>> -> memref<2000000x64xf32, #tpu.memory_space<hbm>>
      tpu.wait_indirect_dma semaphore(%arg8 : memref<!tpu.dma_semaphore, #tpu.memory_space<semaphore_mem>>) src(%dma_wait3A_318 : memref<2000000x64xf32, #tpu.memory_space<hbm>>) dst(%dma_wait3A_312 : memref<200x64xf32, #tpu.memory_space<vmem>>)
      %dma_wait3A_319 = arith.constant 1 : i32
      %dma_wait3A_320 = arith.constant 2 : i32
      %dma_wait3A_321 = arith.constant 0 : i32
      %dma_wait3A_322 = arith.constant 0 : i32
      %dma_wait3A_323 = arith.constant 0 : i32
      %dma_wait3A_324 = tpu.memref_slice %arg6[%dma_wait3A_319, %dma_wait3A_321, %dma_wait3A_322, %dma_wait3A_323] : memref<2x4x200x64xf32, #tpu.memory_space<vmem>> -> memref<1x4x200x64xf32, #tpu.memory_space<vmem>>
      %dma_wait3A_325 = tpu.memref_squeeze %dma_wait3A_324 : memref<1x4x200x64xf32, #tpu.memory_space<vmem>> -> memref<4x200x64xf32, #tpu.memory_space<vmem>>
      %dma_wait3A_326 = arith.constant 0 : i32
      %dma_wait3A_327 = arith.constant 0 : i32
      %dma_wait3A_328 = tpu.memref_slice %dma_wait3A_325[%dma_wait3A_320, %dma_wait3A_326, %dma_wait3A_327] : memref<4x200x64xf32, #tpu.memory_space<vmem>> -> memref<1x200x64xf32, #tpu.memory_space<vmem>>
      %dma_wait3A_329 = tpu.memref_squeeze %dma_wait3A_328 : memref<1x200x64xf32, #tpu.memory_space<vmem>> -> memref<200x64xf32, #tpu.memory_space<vmem>>
      %dma_wait3A_330 = arith.constant 0 : i32
      %dma_wait3A_331 = tpu.memref_slice %arg5[%add3A_168, %dma_wait3A_330] : memref<128x200xi32, #tpu.memory_space<vmem>> -> memref<1x200xi32, #tpu.memory_space<vmem>>
      %dma_wait3A_332 = tpu.memref_squeeze %dma_wait3A_331 : memref<1x200xi32, #tpu.memory_space<vmem>> -> memref<200xi32, #tpu.memory_space<vmem>>
      %dma_wait3A_333 = arith.constant 0 : i32
      %dma_wait3A_334 = arith.constant 0 : i32
      %dma_wait3A_335 = tpu.memref_slice %arg2[%dma_wait3A_333, %dma_wait3A_334] : memref<2000000x64xf32, #tpu.memory_space<hbm>> -> memref<2000000x64xf32, #tpu.memory_space<hbm>>
      tpu.wait_indirect_dma semaphore(%arg8 : memref<!tpu.dma_semaphore, #tpu.memory_space<semaphore_mem>>) src(%dma_wait3A_335 : memref<2000000x64xf32, #tpu.memory_space<hbm>>) dst(%dma_wait3A_329 : memref<200x64xf32, #tpu.memory_space<vmem>>)
      %dma_wait3A_336 = arith.constant 1 : i32
      %dma_wait3A_337 = arith.constant 3 : i32
      %dma_wait3A_338 = arith.constant 0 : i32
      %dma_wait3A_339 = arith.constant 0 : i32
      %dma_wait3A_340 = arith.constant 0 : i32
      %dma_wait3A_341 = tpu.memref_slice %arg6[%dma_wait3A_336, %dma_wait3A_338, %dma_wait3A_339, %dma_wait3A_340] : memref<2x4x200x64xf32, #tpu.memory_space<vmem>> -> memref<1x4x200x64xf32, #tpu.memory_space<vmem>>
      %dma_wait3A_342 = tpu.memref_squeeze %dma_wait3A_341 : memref<1x4x200x64xf32, #tpu.memory_space<vmem>> -> memref<4x200x64xf32, #tpu.memory_space<vmem>>
      %dma_wait3A_343 = arith.constant 0 : i32
      %dma_wait3A_344 = arith.constant 0 : i32
      %dma_wait3A_345 = tpu.memref_slice %dma_wait3A_342[%dma_wait3A_337, %dma_wait3A_343, %dma_wait3A_344] : memref<4x200x64xf32, #tpu.memory_space<vmem>> -> memref<1x200x64xf32, #tpu.memory_space<vmem>>
      %dma_wait3A_346 = tpu.memref_squeeze %dma_wait3A_345 : memref<1x200x64xf32, #tpu.memory_space<vmem>> -> memref<200x64xf32, #tpu.memory_space<vmem>>
      %dma_wait3A_347 = arith.constant 0 : i32
      %dma_wait3A_348 = tpu.memref_slice %arg5[%add3A_193, %dma_wait3A_347] : memref<128x200xi32, #tpu.memory_space<vmem>> -> memref<1x200xi32, #tpu.memory_space<vmem>>
      %dma_wait3A_349 = tpu.memref_squeeze %dma_wait3A_348 : memref<1x200xi32, #tpu.memory_space<vmem>> -> memref<200xi32, #tpu.memory_space<vmem>>
      %dma_wait3A_350 = arith.constant 0 : i32
      %dma_wait3A_351 = arith.constant 0 : i32
      %dma_wait3A_352 = tpu.memref_slice %arg2[%dma_wait3A_350, %dma_wait3A_351] : memref<2000000x64xf32, #tpu.memory_space<hbm>> -> memref<2000000x64xf32, #tpu.memory_space<hbm>>
      tpu.wait_indirect_dma semaphore(%arg8 : memref<!tpu.dma_semaphore, #tpu.memory_space<semaphore_mem>>) src(%dma_wait3A_352 : memref<2000000x64xf32, #tpu.memory_space<hbm>>) dst(%dma_wait3A_346 : memref<200x64xf32, #tpu.memory_space<vmem>>)
      %mul3A_353 = arith.constant 2 : i32
      %mul3A_354 = arith.muli %add3A_11, %mul3A_353 : i32
      %add3A_355 = arith.constant 1 : i32
      %add3A_356 = arith.addi %mul3A_354, %add3A_355 : i32
      %mul3A_357 = arith.constant 4 : i32
      %mul3A_358 = arith.muli %add3A_356, %mul3A_357 : i32
      %add3A_359 = arith.addi %mul3A_2, %mul3A_358 : i32
      %run_scoped3A_360 = arith.constant 1 : i32
      "tpu.region"() ({
        %run_scoped3A_361 = tpu.sem_alloc : memref<!tpu.dma_semaphore, #tpu.memory_space<semaphore_mem>>
        %dma_start3A_362 = arith.constant 0 : i32
        %dma_start3A_363 = arith.constant 0 : i32
        %dma_start3A_364 = arith.constant 0 : i32
        %dma_start3A_365 = tpu.memref_slice %arg6[%run_scoped3A_360, %dma_start3A_362, %dma_start3A_363, %dma_start3A_364] : memref<2x4x200x64xf32, #tpu.memory_space<vmem>> -> memref<1x4x200x64xf32, #tpu.memory_space<vmem>>
        %dma_start3A_366 = tpu.memref_squeeze %dma_start3A_365 : memref<1x4x200x64xf32, #tpu.memory_space<vmem>> -> memref<4x200x64xf32, #tpu.memory_space<vmem>>
        %dma_start3A_367 = arith.constant 0 : i32
        %dma_start3A_368 = arith.constant 0 : i32
        %dma_start3A_369 = tpu.memref_slice %arg4[%add3A_359, %dma_start3A_367, %dma_start3A_368] : memref<4096x200x128xf32, #tpu.memory_space<hbm>> -> memref<4x200x64xf32, #tpu.memory_space<hbm>>
        %dma_start3A_370 = arith.constant 0 : i32
        %dma_start3A_371 = arith.constant 0 : i32
        %dma_start3A_372 = tpu.memref_slice %arg4[%add3A_359, %dma_start3A_370, %dma_start3A_371] : memref<4096x200x128xf32, #tpu.memory_space<hbm>> -> memref<4x200x64xf32, #tpu.memory_space<hbm>>
        %dma_start3A_373 = arith.constant 0 : i32
        %dma_start3A_374 = arith.constant 0 : i32
        %dma_start3A_375 = arith.constant 0 : i32
        %dma_start3A_376 = tpu.memref_slice %arg6[%run_scoped3A_360, %dma_start3A_373, %dma_start3A_374, %dma_start3A_375] : memref<2x4x200x64xf32, #tpu.memory_space<vmem>> -> memref<1x4x200x64xf32, #tpu.memory_space<vmem>>
        %dma_start3A_377 = tpu.memref_squeeze %dma_start3A_376 : memref<1x4x200x64xf32, #tpu.memory_space<vmem>> -> memref<4x200x64xf32, #tpu.memory_space<vmem>>
        tpu.enqueue_dma source(%dma_start3A_377 : memref<4x200x64xf32, #tpu.memory_space<vmem>>) target(%dma_start3A_372 : memref<4x200x64xf32, #tpu.memory_space<hbm>>) target_semaphore(%run_scoped3A_361 : memref<!tpu.dma_semaphore, #tpu.memory_space<semaphore_mem>>)
        %dma_wait3A_378 = arith.constant 0 : i32
        %dma_wait3A_379 = arith.constant 0 : i32
        %dma_wait3A_380 = arith.constant 0 : i32
        %dma_wait3A_381 = tpu.memref_slice %arg6[%run_scoped3A_360, %dma_wait3A_378, %dma_wait3A_379, %dma_wait3A_380] : memref<2x4x200x64xf32, #tpu.memory_space<vmem>> -> memref<1x4x200x64xf32, #tpu.memory_space<vmem>>
        %dma_wait3A_382 = tpu.memref_squeeze %dma_wait3A_381 : memref<1x4x200x64xf32, #tpu.memory_space<vmem>> -> memref<4x200x64xf32, #tpu.memory_space<vmem>>
        %dma_wait3A_383 = arith.constant 0 : i32
        %dma_wait3A_384 = arith.constant 0 : i32
        %dma_wait3A_385 = tpu.memref_slice %arg4[%add3A_359, %dma_wait3A_383, %dma_wait3A_384] : memref<4096x200x128xf32, #tpu.memory_space<hbm>> -> memref<4x200x64xf32, #tpu.memory_space<hbm>>
        %dma_wait3A_386 = arith.constant 0 : i32
        %dma_wait3A_387 = arith.constant 0 : i32
        %dma_wait3A_388 = tpu.memref_slice %arg4[%add3A_359, %dma_wait3A_386, %dma_wait3A_387] : memref<4096x200x128xf32, #tpu.memory_space<hbm>> -> memref<4x200x64xf32, #tpu.memory_space<hbm>>
        %dma_wait3A_389 = arith.constant 0 : i32
        %dma_wait3A_390 = arith.constant 0 : i32
        %dma_wait3A_391 = arith.constant 0 : i32
        %dma_wait3A_392 = tpu.memref_slice %arg6[%run_scoped3A_360, %dma_wait3A_389, %dma_wait3A_390, %dma_wait3A_391] : memref<2x4x200x64xf32, #tpu.memory_space<vmem>> -> memref<1x4x200x64xf32, #tpu.memory_space<vmem>>
        %dma_wait3A_393 = tpu.memref_squeeze %dma_wait3A_392 : memref<1x4x200x64xf32, #tpu.memory_space<vmem>> -> memref<4x200x64xf32, #tpu.memory_space<vmem>>
        tpu.wait_dma2 semaphore(%run_scoped3A_361 : memref<!tpu.dma_semaphore, #tpu.memory_space<semaphore_mem>>) src(%dma_wait3A_393 : memref<4x200x64xf32, #tpu.memory_space<vmem>>) dst(%dma_wait3A_388 : memref<4x200x64xf32, #tpu.memory_space<hbm>>)
        tpu.yield
      }) : () -> ()
    }
    %scan3A_6 = arith.constant 16 : i32
    return
  }
}

</mosaic_0001>

<sc_bundles>
// kernel: kernel.3.cloned.1.call-start
scs
__scs_entry_jumppad:
0x0: {  	(pc) =	sbr.rel $0x88, $3  }
0x1: {  	(tag) =	ssettag $0x0;
	lr =	simm.s32 $0x1  }
0x2: {  	[smem:$0x3F9F] =	sst lr;
	_ =	strace $0xD0000000  }
0x3: {  	_ = 	snop  }
0x4: {  	_ = 	snop  }
0x5: {  	_ = 	snop  }
0x6: {  	_ = 	snop  }
0x7: {  	_ = 	snop  }
__scs_overlays_trampoline_lowered:
0x8: {  	[smem:$0x3FAE] =	sst s0  }
0x9: {  	[smem:$0x3FAF] =	sst s1  }
0xa: {  	[smem:$0x3FB0] =	sst s2  }
0xb: {  	[smem:$0x3FB1] =	sst s3  }
0xc: {  	[smem:$0x3FB2] =	sst s4  }
0xd: {  	[smem:$0x3FB3] =	sst s5  }
0xe: {  	[smem:$0x3FB4] =	sst s6  }
0xf: {  	[smem:$0x3FB5] =	sst s7  }
0x10: {  	[smem:$0x3FB6] =	sst s8  }
0x11: {  	[smem:$0x3FB7] =	sst s9;
	s0 =	simm.s32 @!p0 $0x0  }
0x12: {  	s1 =	sld [smem:$0x3F9D];
	s0 =	simm.s32 @p0 $0x1  }
0x13: {  	[smem:$0x3FB8] =	sst s0;
	s0 =	simm.s32 @!p1 $0x0  }
0x14: {  	s2 =	sld [smem:$0x3F9C];
	s0 =	simm.s32 @p1 $0x1  }
0x15: {  	[smem:$0x3FB9] =	sst s0;
	s0 =	simm.s32 @!p2 $0x0  }
0x16: {  	s3 =	sld [smem:$0x3FDB];
	s0 =	simm.s32 @p2 $0x1  }
0x17: {  	s4 =	simm.s32 $0x1BF5;
	[smem:$0x3FBB] =	sst s0  }
0x18: {  	s0 =	sld [smem:$0x3F9E];
	_ =	swait.ge [sflag:s4], $0x0  }
0x19: {  	s7 =	sld [smem:$0x3F9F]  }
0x1a: {  	s8 =	sadd.s32 $0xFFFFE003, lr  }
0x1b: {  	s9 =	sadd.s32 $0xFFFFFEF7, lr;
	s5 =	simm.s32 $0xFFFFFFFF;
	p2 =	slt.u32 s8, $0xFFFFF086  }
0x1c: {  	p1 =	slt.u32 s9, $0xF7A;
	s5 =	simm.s32 @!p2 $0x0  }
0x1d: {  	s5 =	simm.s32 @p1 $0x1;
	p0 =	seq.s32 s7, s2  }
0x1e: {  	s7 =	smul.u32 @!p0 $0xF7A, s2;
	p2 =	seq.s32 @!p0 s5, $0x0  }
0x1f: {  	s9 =	smul.u32 $0xF7A, s1;
	s8 =	simm.s32 @!p0 $0x1BF5;
	p2 =	por !p2, p0  }
0x20: {  	[sflag:s8] =	ssyncset.s32 @!p0 $0xFFFFF086;
	s6 =	sadd.s32 @!p0 s3, s7;
	s7 =	simm.s32 @!p0 $0x108  }
0x21: {  	s3 =	sadd.s32 s3, s9;
	s6 =	sadd.s32 @!p0 $0x88, s6;
	s7 =	simm.s32 @p2 $0x1082  }
0x22: {  	[simem:s7], [sflag:s8] =	dma.local @!p0 [hbm:s6], $0xF7A  }
0x23: {  	s9 =	sor.u32 $0xD0000000, s2;
	s6 =	simm.s32 $0x108;
	_ =	swait.ge @!p0 [sflag:s8], $0x0  }
0x24: {  	s3 =	sadd.s32 $0x88, s3;
	s6 =	simm.s32 @!p1 $0x1082;
	[sflag:s4] =	ssyncset.s32 $0xFFFFF086  }
0x25: {  	[simem:s6], [sflag:s4] =	dma.local [hbm:s3], $0xF7A  }
0x26: {  	[smem:$0x3F9F] =	sst s1;
	(tag) =	ssettag s2;
	_ =	strace s9  }
0x27: {  	s1 =	sld [smem:$0x3FAF]  }
0x28: {  	s2 =	sld [smem:$0x3FB0]  }
0x29: {  	s4 =	sld [smem:$0x3FB2]  }
0x2a: {  	p0 =	seq.s32 s5, $0x0;
	s5 =	sld [smem:$0x3FB3]  }
0x2b: {  	s6 =	sld [smem:$0x3FB4]  }
0x2c: {  	s7 =	sld [smem:$0x3FB5]  }
0x2d: {  	s3 =	simm.s32 $0x108;
	s8 =	sld [smem:$0x3FB6]  }
0x2e: {  	s3 =	simm.s32 @!p0 $0x1082;
	s9 =	sld [smem:$0x3FB7]  }
0x2f: {  	lr =	sadd.s32 s0, s3;
	s0 =	sld [smem:$0x3FAE]  }
0x30: {  	s3 =	sld [smem:$0x3FB1]  }
0x31: {  	[smem:$0x3FBA] =	sst s10  }
0x32: {  	s10 =	sld [smem:$0x3FB8];
	_ =	sdelay $0x3  }
0x33: {  	p0 =	seq.s32 s10, $0x1;
	s10 =	sld [smem:$0x3FBA];
	_ =	sdelay $0x3  }
0x34: {  	[smem:$0x3FBA] =	sst s10  }
0x35: {  	s10 =	sld [smem:$0x3FB9];
	_ =	sdelay $0x3  }
0x36: {  	p1 =	seq.s32 s10, $0x1;
	s10 =	sld [smem:$0x3FBA];
	_ =	sdelay $0x3  }
0x37: {  	[smem:$0x3FBA] =	sst s10  }
0x38: {  	s10 =	sld [smem:$0x3FBB]  }
0x39: {  	_ = 	snop;
	(pc) =	sbr.ind lr, $3  }
0x3a: {  	_ = 	snop  }
0x3b: {  	_ = 	snop  }
0x3c: {  	p2 =	seq.s32 s10, $0x1;
	s10 =	sld [smem:$0x3FBA]  }
0x3d: {  	_ =	shalt  }
0x3e: {  	_ =	shalt  }
0x3f: {  	_ =	shalt  }
0x40: {  	_ =	shalt  }
0x41: {  	_ =	shalt  }
0x42: {  	_ =	shalt  }
0x43: {  	_ =	shalt  }
0x44: {  	_ =	shalt  }
0x45: {  	_ =	shalt  }
0x46: {  	_ =	shalt  }
0x47: {  	_ =	shalt  }
0x48: {  	_ =	shalt  }
0x49: {  	_ =	shalt  }
0x4a: {  	_ =	shalt  }
0x4b: {  	_ =	shalt  }
0x4c: {  	_ =	shalt  }
0x4d: {  	_ =	shalt  }
0x4e: {  	_ =	shalt  }
0x4f: {  	_ =	shalt  }
0x50: {  	_ =	shalt  }
0x51: {  	_ =	shalt  }
0x52: {  	_ =	shalt  }
0x53: {  	_ =	shalt  }
0x54: {  	_ =	shalt  }
0x55: {  	_ =	shalt  }
0x56: {  	_ =	shalt  }
0x57: {  	_ =	shalt  }
0x58: {  	_ =	shalt  }
0x59: {  	_ =	shalt  }
0x5a: {  	_ =	shalt  }
0x5b: {  	_ =	shalt  }
0x5c: {  	_ =	shalt  }
0x5d: {  	_ =	shalt  }
0x5e: {  	_ =	shalt  }
0x5f: {  	_ =	shalt  }
0x60: {  	_ =	shalt  }
0x61: {  	_ =	shalt  }
0x62: {  	_ =	shalt  }
0x63: {  	_ =	shalt  }
0x64: {  	_ =	shalt  }
0x65: {  	_ =	shalt  }
0x66: {  	_ =	shalt  }
0x67: {  	_ =	shalt  }
0x68: {  	_ =	shalt  }
0x69: {  	_ =	shalt  }
0x6a: {  	_ =	shalt  }
0x6b: {  	_ =	shalt  }
0x6c: {  	_ =	shalt  }
0x6d: {  	_ =	shalt  }
0x6e: {  	_ =	shalt  }
0x6f: {  	_ =	shalt  }
0x70: {  	_ =	shalt  }
0x71: {  	_ =	shalt  }
0x72: {  	_ =	shalt  }
0x73: {  	_ =	shalt  }
0x74: {  	_ =	shalt  }
0x75: {  	_ =	shalt  }
0x76: {  	_ =	shalt  }
0x77: {  	_ =	shalt  }
0x78: {  	_ =	shalt  }
0x79: {  	_ =	shalt  }
0x7a: {  	_ =	shalt  }
0x7b: {  	_ =	shalt  }
0x7c: {  	_ =	shalt  }
0x7d: {  	_ =	shalt  }
0x7e: {  	_ =	shalt  }
0x7f: {  	_ =	shalt  }
0x80: {  	_ =	shalt  }
0x81: {  	_ =	shalt  }
0x82: {  	_ =	shalt  }
0x83: {  	_ =	shalt  }
0x84: {  	_ =	shalt  }
0x85: {  	_ =	shalt  }
0x86: {  	_ =	shalt  }
0x87: {  	_ =	shalt  }
.Lfunc_end0:
.L_simem_size_0:
called_computation.1_lowered:
.L_overlay_start_0:
0x88: {  	s2 =	sld [smem:$0x3FD9]  }
0x89: {  	s3 =	sld [smem:$0x3FFE];
	_ =	sdelay $0x1  }
0x8a: {  	s1 =	srdreg.scid  }
0x8b: {  	s0 =	sand.u32 $0x1, s1  }
0x8c: {  	s17 =	sshll.u32 s0, $0xA;
	s2 =	sadd.s32 s3, s2  }
0x8d: {  	s2 =	sadd.s32 s2, s17  }
0x8e: {  	[smem:$0x3FC6] =	sst s2  }
0x8f: {  	_ = 	snop  }
0x90: {  	s2 =	sld [smem:$0x3FD0];
	(tm) =	ssettm $0x1  }
0x91: {  	s18 =	sld [smem:$0x3FFB];
	_ =	sdelay $0x3  }
0x92: {  	_ =	strace s18  }
0x93: {  	s3 =	sld [smem:$0x3FFC];
	_ =	sdelay $0x3  }
0x94: {  	_ =	strace s3  }
0x95: {  	s3 =	sld [smem:$0x3FFD];
	_ =	sdelay $0x3  }
0x96: {  	_ =	strace s3  }
0x97: {  	_ =	strace $0x8FFFFFFF  }
0x98: {  	s19 =	sld [smem:$0x3FDB];
	_ =	sdelay $0x1  }
0x99: {  	s4 =	simm.s32 $_scs_section_size  }
0x9a: {  	s5 =	simm.s32 $_size__tile_overlayer_lowered;
	s6 =	simm.s32 $_tile_overlayer_lowered  }
0x9b: {  	s22 =	simm.s32 $0x1BFF;
	s21 =	sshll.u32 s6, $0x1;
	s3 =	sadd.s32 s4, s19  }
0x9c: {  	s7 =	simm.s32 $0x0;
	s20 =	sshll.u32 s5, $0x1;
	s5 =	sadd.s32 s21, s3  }
0x9d: {  	[timem:s7], [sflag:s22] =	dma.local [hbm:s5], s20  }
0x9e: {  	_ =	swait.ge [sflag:s22], s20  }
0x9f: {  	s4 =	ssub.s32 $0x0, s20;
	[sflag:s22] =	ssyncset.done $0x0  }
0xa0: {  	[sflag:s22] =	ssyncadd.s32 s4;
	_ =	sdelay $0x1  }
0xa1: {  	s23 =	simm.s32 $0x1B8B  }
0xa2: {  	_ =	swait.ge [sflag:s23], $0x1  }
0xa3: {  	[sflag:s23] =	ssyncset.done $0x0  }
0xa4: {  	s25 =	simm.s32 $0x1B8E;
	s24 =	sld [smem:$0x3FFE];
	[sflag:s23] =	ssyncadd.s32 $0xFFFFFFFF  }
0xa5: {  	s26 =	simm.s32 $execute0_lowered;
	[smem:$0x3FD2] =	sst s25  }
0xa6: {  	s5 =	sshll.u32 s26, $0x1;
	_ =	strace $0x80000046;
	[dreg:$0x1] =	wrdreg $0xFFFFFFFF  }
0xa7: {  	s28 =	simm.s32 $_size_execute0_lowered;
	s3 =	sadd.s32 s3, s5;
	[dreg:$0x0] =	wrdreg $0x0  }
0xa8: {  	s5 =	sshll.u32 s28, $0x1;
	[dreg:$0x2] =	wrdreg s3  }
0xa9: {  	[dreg:$0x3] =	wrdreg s5  }
0xaa: {  	[dreg:$0x4] =	wrdreg $0xC0  }
0xab: {  	_ =	task [dreg:s7], $0x5FFFF  }
0xac: {  	[dreg:$0x1] =	wrdreg $0xFFFFFFFF  }
0xad: {  	[dreg:$0x0] =	wrdreg $0x60  }
0xae: {  	[dreg:$0x2] =	wrdreg s24  }
0xaf: {  	[dreg:$0x3] =	wrdreg s2  }
0xb0: {  	[dreg:$0x4] =	wrdreg $0x9  }
0xb1: {  	_ =	task.clear_ibuf [dreg:s7], $0x5FFFF;
	_ =	strace $0x90000046  }
0xb2: {  	s29 =	simm.s32 $0x9;
	_ =	strace $0x80000048  }
0xb3: {  	_ =	swait.ge [sflag:s29], $0x1  }
0xb4: {  	[sflag:s29] =	ssyncadd.s32 $0xFFFFFFFF  }
0xb5: {  	_ =	strace $0x90000048  }
0xb6: {  	_ =	sfence  }
0xb7: {  	s30 =	sld [smem:$0x0];
	_ =	sdelay $0x2  }
0xb8: {  	s31 =	sshll.u32 s1, $0xD;
	s1 =	sshrl.u32 s1, $0x2  }
0xb9: {  	s3 =	sand.u32 $0x4000, s31;
	s1 =	sadd.s32 s1, s30  }
0xba: {  	s0 =	sor.u32 s3, s0;
	s1 =	sshll.u32 s1, $0x11  }
0xbb: {  	s0 =	sor.u32 s1, s0  }
0xbc: {  	s0 =	sadd.s32 $0x8F2B, s0  }
0xbd: {  	[sflag:s0] =	ssyncadd.remote.s32 $0x1  }
0xbe: {  	_ =	sfence.sel $0xFFFF  }
0xbf: {  	[dreg:$0x0] =	wrdreg $0xFFFFFFFF;
	(pc) =	sbr.abs _section_cstart, $3  }
0xc0: {  	[dreg:$0x1] =	wrdreg $0xFFFFFFFF  }
0xc1: {  	_ =	task.clear_ibuf [dreg:s7], $0x2FFFF;
	_ =	strace $0x9FFFFFFF  }
0xc2: {  	(tm) =	ssettm $0x7FFFFFFF  }
0xc3: {  	_ =	shalt  }
tec
execute0_lowered:
.L_overlay_start_1:
0x0: {  	(tag) =	ssettag $0x1  }
0x1: {  	s3 =	rddreg [dreg:$0x0]  }
0x2: {  	s4 =	rddreg [dreg:$0x1]  }
0x3: {  	s0 =	rddreg [dreg:$0x2]  }
0x4: {  	s2 =	simm.s32 $0x0;
	s5 =	srdreg.scid;
	s1 =	stileid.u32  }
0x5: {  	s10 =	simm.s32 $0x9600;
	s11 =	simm.s32 $0xC800;
	s12 =	simm.s32 $0xFA00  }
0x6: {  	s13 =	simm.s32 $0x12C00;
	s14 =	simm.s32 $0x15E00;
	s15 =	simm.s32 $0x19000  }
0x7: {  	s16 =	simm.s32 $0x1C200;
	s17 =	simm.s32 $0x1;
	s18 =	simm.s32 $0x40  }
0x8: {  	s19 =	simm.s32 $0x80;
	s20 =	simm.s32 $0x2;
	s21 =	simm.s32 $0x0  }
0x9: {  	[smem:$0x7FF] =	sst s2;
	s5 =	sand.u32 $0x1, s5;
	s6 =	smul.u32 $0xC8000, s1  }
0xa: {  	s7 =	sshll.u32 s1, $0x8;
	_ =	strace $0x80000047;
	s8 =	sshll.u32 s5, $0x7  }
0xb: {  	s9 =	ssub.s32 $0x2, s5;
	s5 =	smul.u32 $0x64000, s5;
	s7 =	sor.u32 s8, s7  }
0xc: {  	s6 =	sadd.s32 s6, s3;
	s31 =	sshrl.u32 s9, $0x1;
	s3 =	sadd.s32 $0x800, s3  }
0xd: {  	s7 =	smul.u32 $0x19, s7;
	s8 =	ssub.s32 s9, s31;
	s6 =	sadd.s32 s5, s6  }
0xe: {  	s9 =	simm.s32 $0x6400;
	s5 =	smax.u32 s8, $0x1;
	s6 =	sadd.s32 $0xF42C00, s6  }
0xf: {  	s8 =	simm.s32 $0xC8;
	s4 =	sadd.s32 s4, s7;
	s7 =	simm.s32 $0x3  }
.LBB2_1:
0x10: {  	[tilespmem:s2], [sflag:$0x3] =	stream.linear.gather [hbm4b:s4+s2], $0x6400, $0x38;
	[tilespmem:$0x1F400] =	vst v63  }
0x11: {  	_ =	swait.ge [sflag:s7], $0x6400  }
0x12: {  	[sflag:s7] =	ssyncset.done $0x0  }
0x13: {  	s22 =	simm.s32 $0x0;
	[sflag:s7] =	ssyncadd.s32 $0xFFFF9C00  }
0x14: {  	[tilespmem:s9], [sflag:$0x1] =	stream.indirect.gather [hbm4b:s3+s8], $0x40, s22, s8, $0xb8;
	[tilespmem:$0x1F400] =	vst v63  }
0x15: {  	s23 =	simm.s32 $0xC8  }
0x16: {  	[tilespmem:s10], [sflag:$0x1] =	stream.indirect.gather [hbm4b:s3+s8], $0x40, s23, s8, $0xb8;
	[tilespmem:$0x1F400] =	vst v63  }
0x17: {  	s24 =	simm.s32 $0x190  }
0x18: {  	[tilespmem:s11], [sflag:$0x1] =	stream.indirect.gather [hbm4b:s3+s8], $0x40, s24, s8, $0xb8;
	[tilespmem:$0x1F400] =	vst v63  }
0x19: {  	s25 =	simm.s32 $0x258  }
0x1a: {  	[tilespmem:s12], [sflag:$0x1] =	stream.indirect.gather [hbm4b:s3+s8], $0x40, s25, s8, $0xb8;
	[tilespmem:$0x1F400] =	vst v63  }
0x1b: {  	s26 =	simm.s32 $0x320  }
0x1c: {  	[tilespmem:s13], [sflag:$0x2] =	stream.indirect.gather [hbm4b:s3+s8], $0x40, s26, s8, $0xb8;
	[tilespmem:$0x1F400] =	vst v63  }
0x1d: {  	s28 =	simm.s32 $0x3E8  }
0x1e: {  	[tilespmem:s14], [sflag:$0x2] =	stream.indirect.gather [hbm4b:s3+s8], $0x40, s28, s8, $0xb8;
	[tilespmem:$0x1F400] =	vst v63  }
0x1f: {  	s29 =	simm.s32 $0x4B0  }
0x20: {  	[tilespmem:s15], [sflag:$0x2] =	stream.indirect.gather [hbm4b:s3+s8], $0x40, s29, s8, $0xb8;
	[tilespmem:$0x1F400] =	vst v63  }
0x21: {  	s30 =	simm.s32 $0x578  }
0x22: {  	[tilespmem:s16], [sflag:$0x2] =	stream.indirect.gather [hbm4b:s3+s8], $0x40, s30, s8, $0xb8;
	[tilespmem:$0x1F400] =	vst v63  }
0x23: {  	_ =	swait.ge [sflag:s17], $0x3200  }
0x24: {  	[sflag:s17] =	ssyncset.done $0x0  }
0x25: {  	[sflag:s17] =	ssyncadd.s32 $0xFFFFCE00  }
0x26: {  	_ =	swait.ge [sflag:s17], $0x3200  }
0x27: {  	[sflag:s17] =	ssyncset.done $0x0  }
0x28: {  	[sflag:s17] =	ssyncadd.s32 $0xFFFFCE00  }
0x29: {  	_ =	swait.ge [sflag:s17], $0x3200  }
0x2a: {  	[sflag:s17] =	ssyncset.done $0x0  }
0x2b: {  	[sflag:s17] =	ssyncadd.s32 $0xFFFFCE00  }
0x2c: {  	_ =	swait.ge [sflag:s17], $0x3200  }
0x2d: {  	[sflag:s17] =	ssyncset.done $0x0  }
0x2e: {  	[sflag:s17] =	ssyncadd.s32 $0xFFFFCE00  }
0x2f: {  	[hbm4b:s6+s18] =	stream.strided.scatter [tilespmem:s9], [sflag:$0x3], $0xC800, s19, s18, $0x38;
	[tilespmem:$0x1F400] =	vst v63  }
0x30: {  	_ =	swait.ge [sflag:s7], $0xC800  }
0x31: {  	[sflag:s7] =	ssyncset.done $0x0  }
0x32: {  	[sflag:s7] =	ssyncadd.s32 $0xFFFF3800  }
0x33: {  	_ =	swait.ge [sflag:s20], $0x3200  }
0x34: {  	[sflag:s20] =	ssyncset.done $0x0  }
0x35: {  	[sflag:s20] =	ssyncadd.s32 $0xFFFFCE00  }
0x36: {  	_ =	swait.ge [sflag:s20], $0x3200  }
0x37: {  	[sflag:s20] =	ssyncset.done $0x0  }
0x38: {  	[sflag:s20] =	ssyncadd.s32 $0xFFFFCE00  }
0x39: {  	_ =	swait.ge [sflag:s20], $0x3200  }
0x3a: {  	[sflag:s20] =	ssyncset.done $0x0  }
0x3b: {  	[sflag:s20] =	ssyncadd.s32 $0xFFFFCE00  }
0x3c: {  	_ =	swait.ge [sflag:s20], $0x3200  }
0x3d: {  	[sflag:s20] =	ssyncset.done $0x0  }
0x3e: {  	s31 =	sadd.s32 $0x3200, s6;
	[sflag:s20] =	ssyncadd.s32 $0xFFFFCE00  }
0x3f: {  	[hbm4b:s31+s18] =	stream.strided.scatter [tilespmem:s13], [sflag:$0x3], $0xC800, s19, s18, $0x38;
	[tilespmem:$0x1F400] =	vst v63  }
0x40: {  	s22 =	sadd.s32 $0x6400, s6;
	_ =	swait.ge [sflag:s7], $0xC800  }
0x41: {  	s23 =	simm.s32 $0x1900;
	s25 =	simm.s32 $0x3200;
	[sflag:s7] =	ssyncset.done $0x0  }
.LBB2_2:
0x42: {  	s26 =	sshra.s32 s23, $0x2  }
0x43: {  	[sflag:s7] =	ssyncadd.s32 $0xFFFF3800;
	s23 =	smov.u32 s25;
	s24 =	sadd.s32 $0x1900, s25  }
0x44: {  	[tilespmem:s9], [sflag:$0x1] =	stream.indirect.gather [hbm4b:s3+s8], $0x40, s26, s8, $0xb8;
	[tilespmem:$0x1F400] =	vst v63  }
0x45: {  	p0 =	sne.s32 s25, $0x17700;
	s25 =	sadd.s32 $0xC8, s26  }
0x46: {  	[tilespmem:s10], [sflag:$0x1] =	stream.indirect.gather [hbm4b:s3+s8], $0x40, s25, s8, $0xb8;
	[tilespmem:$0x1F400] =	vst v63  }
0x47: {  	s25 =	sadd.s32 $0x190, s26  }
0x48: {  	[tilespmem:s11], [sflag:$0x1] =	stream.indirect.gather [hbm4b:s3+s8], $0x40, s25, s8, $0xb8;
	[tilespmem:$0x1F400] =	vst v63  }
0x49: {  	s25 =	sadd.s32 $0x258, s26  }
0x4a: {  	[tilespmem:s12], [sflag:$0x1] =	stream.indirect.gather [hbm4b:s3+s8], $0x40, s25, s8, $0xb8;
	[tilespmem:$0x1F400] =	vst v63  }
0x4b: {  	s25 =	sadd.s32 $0x320, s26  }
0x4c: {  	[tilespmem:s13], [sflag:$0x2] =	stream.indirect.gather [hbm4b:s3+s8], $0x40, s25, s8, $0xb8;
	[tilespmem:$0x1F400] =	vst v63  }
0x4d: {  	s25 =	sadd.s32 $0x3E8, s26  }
0x4e: {  	[tilespmem:s14], [sflag:$0x2] =	stream.indirect.gather [hbm4b:s3+s8], $0x40, s25, s8, $0xb8;
	[tilespmem:$0x1F400] =	vst v63  }
0x4f: {  	s25 =	sadd.s32 $0x4B0, s26  }
0x50: {  	[tilespmem:s15], [sflag:$0x2] =	stream.indirect.gather [hbm4b:s3+s8], $0x40, s25, s8, $0xb8;
	[tilespmem:$0x1F400] =	vst v63  }
0x51: {  	s25 =	sadd.s32 $0x578, s26  }
0x52: {  	[tilespmem:s16], [sflag:$0x2] =	stream.indirect.gather [hbm4b:s3+s8], $0x40, s25, s8, $0xb8;
	[tilespmem:$0x1F400] =	vst v63  }
0x53: {  	_ =	swait.ge [sflag:s17], $0x3200  }
0x54: {  	[sflag:s17] =	ssyncset.done $0x0  }
0x55: {  	[sflag:s17] =	ssyncadd.s32 $0xFFFFCE00  }
0x56: {  	_ =	swait.ge [sflag:s17], $0x3200  }
0x57: {  	[sflag:s17] =	ssyncset.done $0x0  }
0x58: {  	[sflag:s17] =	ssyncadd.s32 $0xFFFFCE00  }
0x59: {  	_ =	swait.ge [sflag:s17], $0x3200  }
0x5a: {  	[sflag:s17] =	ssyncset.done $0x0  }
0x5b: {  	[sflag:s17] =	ssyncadd.s32 $0xFFFFCE00  }
0x5c: {  	_ =	swait.ge [sflag:s17], $0x3200  }
0x5d: {  	[sflag:s17] =	ssyncset.done $0x0  }
0x5e: {  	[sflag:s17] =	ssyncadd.s32 $0xFFFFCE00  }
0x5f: {  	[hbm4b:s22+s18] =	stream.strided.scatter [tilespmem:s9], [sflag:$0x3], $0xC800, s19, s18, $0x38;
	[tilespmem:$0x1F400] =	vst v63  }
0x60: {  	_ =	swait.ge [sflag:s7], $0xC800  }
0x61: {  	[sflag:s7] =	ssyncset.done $0x0  }
0x62: {  	[sflag:s7] =	ssyncadd.s32 $0xFFFF3800  }
0x63: {  	_ =	swait.ge [sflag:s20], $0x3200  }
0x64: {  	[sflag:s20] =	ssyncset.done $0x0  }
0x65: {  	[sflag:s20] =	ssyncadd.s32 $0xFFFFCE00  }
0x66: {  	_ =	swait.ge [sflag:s20], $0x3200  }
0x67: {  	[sflag:s20] =	ssyncset.done $0x0  }
0x68: {  	[sflag:s20] =	ssyncadd.s32 $0xFFFFCE00  }
0x69: {  	_ =	swait.ge [sflag:s20], $0x3200  }
0x6a: {  	[sflag:s20] =	ssyncset.done $0x0  }
0x6b: {  	[sflag:s20] =	ssyncadd.s32 $0xFFFFCE00  }
0x6c: {  	_ =	swait.ge [sflag:s20], $0x3200  }
.Ltmp0:
0x6d: {  	[sflag:s20] =	ssyncset.done $0x0;
	(pc) =	sbr.rel @p0 .LBB2_2-.Ltmp0, $4  }
0x6e: {  	s25 =	sadd.s32 $0x3200, s22;
	[sflag:s20] =	ssyncadd.s32 $0xFFFFCE00  }
0x6f: {  	[hbm4b:s25+s18] =	stream.strided.scatter [tilespmem:s13], [sflag:$0x3], $0xC800, s19, s18, $0x38;
	[tilespmem:$0x1F400] =	vst v63  }
0x70: {  	_ =	swait.ge [sflag:s7], $0xC800  }
0x71: {  	s22 =	sadd.s32 $0x6400, s22;
	s25 =	smov.u32 s24;
	[sflag:s7] =	ssyncset.done $0x0  }
0x72: {  	s23 =	sshra.s32 s23, $0x2;
	[sflag:s7] =	ssyncadd.s32 $0xFFFF3800  }
0x73: {  	[tilespmem:s9], [sflag:$0x1] =	stream.indirect.gather [hbm4b:s3+s8], $0x40, s23, s8, $0xb8;
	[tilespmem:$0x1F400] =	vst v63  }
0x74: {  	s24 =	sadd.s32 $0xC8, s23  }
0x75: {  	[tilespmem:s10], [sflag:$0x1] =	stream.indirect.gather [hbm4b:s3+s8], $0x40, s24, s8, $0xb8;
	[tilespmem:$0x1F400] =	vst v63  }
0x76: {  	s25 =	sadd.s32 $0x190, s23  }
0x77: {  	[tilespmem:s11], [sflag:$0x1] =	stream.indirect.gather [hbm4b:s3+s8], $0x40, s25, s8, $0xb8;
	[tilespmem:$0x1F400] =	vst v63  }
0x78: {  	s26 =	sadd.s32 $0x258, s23  }
0x79: {  	[tilespmem:s12], [sflag:$0x1] =	stream.indirect.gather [hbm4b:s3+s8], $0x40, s26, s8, $0xb8;
	[tilespmem:$0x1F400] =	vst v63  }
0x7a: {  	s28 =	sadd.s32 $0x320, s23  }
0x7b: {  	[tilespmem:s13], [sflag:$0x2] =	stream.indirect.gather [hbm4b:s3+s8], $0x40, s28, s8, $0xb8;
	[tilespmem:$0x1F400] =	vst v63  }
0x7c: {  	s29 =	sadd.s32 $0x3E8, s23  }
0x7d: {  	[tilespmem:s14], [sflag:$0x2] =	stream.indirect.gather [hbm4b:s3+s8], $0x40, s29, s8, $0xb8;
	[tilespmem:$0x1F400] =	vst v63  }
0x7e: {  	s30 =	sadd.s32 $0x4B0, s23  }
0x7f: {  	[tilespmem:s15], [sflag:$0x2] =	stream.indirect.gather [hbm4b:s3+s8], $0x40, s30, s8, $0xb8;
	[tilespmem:$0x1F400] =	vst v63  }
0x80: {  	s23 =	sadd.s32 $0x578, s23  }
0x81: {  	[tilespmem:s16], [sflag:$0x2] =	stream.indirect.gather [hbm4b:s3+s8], $0x40, s23, s8, $0xb8;
	[tilespmem:$0x1F400] =	vst v63  }
0x82: {  	_ =	swait.ge [sflag:s17], $0x3200  }
0x83: {  	[sflag:s17] =	ssyncset.done $0x0  }
0x84: {  	[sflag:s17] =	ssyncadd.s32 $0xFFFFCE00  }
0x85: {  	_ =	swait.ge [sflag:s17], $0x3200  }
0x86: {  	[sflag:s17] =	ssyncset.done $0x0  }
0x87: {  	[sflag:s17] =	ssyncadd.s32 $0xFFFFCE00  }
0x88: {  	_ =	swait.ge [sflag:s17], $0x3200  }
0x89: {  	[sflag:s17] =	ssyncset.done $0x0  }
0x8a: {  	[sflag:s17] =	ssyncadd.s32 $0xFFFFCE00  }
0x8b: {  	_ =	swait.ge [sflag:s17], $0x3200  }
0x8c: {  	[sflag:s17] =	ssyncset.done $0x0  }
0x8d: {  	[sflag:s17] =	ssyncadd.s32 $0xFFFFCE00  }
0x8e: {  	[hbm4b:s22+s18] =	stream.strided.scatter [tilespmem:s9], [sflag:$0x3], $0xC800, s19, s18, $0x38;
	[tilespmem:$0x1F400] =	vst v63  }
0x8f: {  	_ =	swait.ge [sflag:s7], $0xC800  }
0x90: {  	[sflag:s7] =	ssyncset.done $0x0  }
0x91: {  	[sflag:s7] =	ssyncadd.s32 $0xFFFF3800  }
0x92: {  	_ =	swait.ge [sflag:s20], $0x3200  }
0x93: {  	[sflag:s20] =	ssyncset.done $0x0  }
0x94: {  	[sflag:s20] =	ssyncadd.s32 $0xFFFFCE00  }
0x95: {  	_ =	swait.ge [sflag:s20], $0x3200  }
0x96: {  	[sflag:s20] =	ssyncset.done $0x0  }
0x97: {  	[sflag:s20] =	ssyncadd.s32 $0xFFFFCE00  }
0x98: {  	_ =	swait.ge [sflag:s20], $0x3200  }
0x99: {  	[sflag:s20] =	ssyncset.done $0x0  }
0x9a: {  	[sflag:s20] =	ssyncadd.s32 $0xFFFFCE00  }
0x9b: {  	s21 =	sadd.s32 $0x1, s21;
	_ =	swait.ge [sflag:s20], $0x3200  }
0x9c: {  	p0 =	sne.s32 s21, s5;
	[sflag:s20] =	ssyncset.done $0x0  }
.Ltmp1:
0x9d: {  	s31 =	sadd.s32 $0x3200, s22;
	[sflag:s20] =	ssyncadd.s32 $0xFFFFCE00;
	(pc) =	sbr.rel @p0 .LBB2_1-.Ltmp1, $4  }
0x9e: {  	[hbm4b:s31+s18] =	stream.strided.scatter [tilespmem:s13], [sflag:$0x3], $0xC800, s19, s18, $0x38;
	[tilespmem:$0x1F400] =	vst v63  }
0x9f: {  	_ =	swait.ge [sflag:s7], $0xC800  }
0xa0: {  	[sflag:s7] =	ssyncset.done $0x0  }
0xa1: {  	[sflag:s7] =	ssyncadd.s32 $0xFFFF3800  }
0xa2: {  	_ =	sfence.sel $0x180000  }
0xa3: {  	[bflag:$0x0] =	sbarrier.arrive $0xFFFF  }
0xa4: {  	p0 =	sne.s32 s1, $0x0;
	_ =	strace $0x90000047  }
0xa5: {  	s0 =	sadd.s32 @!p0 $0x100000, s0;
	[bflag:$0x2] =	sbarrier.arrive $0xFFFF  }
0xa6: {  	[sflag:s0] =	ssyncadd.tile.s32 @!p0 $0x1;
	_ =	shalt  }
.Lfunc_end2:
_tile_overlayer_lowered:
.L_overlay_start_2:
0xa7: {  	(tag) =	ssettag $0x2  }
0xa8: {  	s0 =	rddreg [dreg:$0x0];
	s2 =	stileid.u32  }
0xa9: {  	s1 =	rddreg [dreg:$0x1];
	p0 =	sne.s32 s2, $0x0  }
0xaa: {  	s3 =	rddreg [dreg:$0x2];
	[bflag:$0x3] =	sbarrier.arrive $0xFFFF;
	s2 =	simm.s32 @!p0 $0x1C03  }
0xab: {  	[timem:s3], [sflag:s2] =	dma.local @!p0 [hbm:s0], s1  }
0xac: {  	s0 =	simm.s32 @!p0 $0x3  }
0xad: {  	_ =	swait.ge @!p0 [sflag:s0], s1  }
0xae: {  	s1 =	ssub.s32 @!p0 $0x0, s1;
	[sflag:s0] =	ssyncset.done @!p0 $0x0  }
0xaf: {  	[sflag:s0] =	ssyncadd.s32 @!p0 s1  }
0xb0: {  	[bflag:$0x3] =	sbarrier.arrive $0xFFFF  }
0xb1: {  	_ =	shalt  }

// kernel: sparse-core-data-format-call.cloned.1.call-start
scs
called_computation_lowered:
.L_overlay_start_0:
0x0: {  	s2 =	sld [smem:$0x3FD9]  }
0x1: {  	s3 =	sld [smem:$0x3FFE];
	_ =	sdelay $0x1  }
0x2: {  	s1 =	srdreg.scid  }
0x3: {  	s0 =	sand.u32 $0x1, s1  }
0x4: {  	s18 =	sshll.u32 s0, $0xA;
	s2 =	sadd.s32 s3, s2  }
0x5: {  	s2 =	sadd.s32 s2, s18  }
0x6: {  	[smem:$0x3FC6] =	sst s2  }
0x7: {  	_ = 	snop  }
0x8: {  	s2 =	sld [smem:$0x3FD0];
	(tm) =	ssettm $0x1  }
0x9: {  	s19 =	sld [smem:$0x3FFB];
	_ =	sdelay $0x3  }
0xa: {  	_ =	strace s19  }
0xb: {  	s3 =	sld [smem:$0x3FFC];
	_ =	sdelay $0x3  }
0xc: {  	_ =	strace s3  }
0xd: {  	s3 =	sld [smem:$0x3FFD];
	_ =	sdelay $0x3  }
0xe: {  	_ =	strace s3  }
0xf: {  	_ =	strace $0x8FFFFFFF  }
0x10: {  	s20 =	sld [smem:$0x3FDB];
	_ =	sdelay $0x1  }
0x11: {  	s4 =	simm.s32 $_scs_section_size  }
0x12: {  	s5 =	simm.s32 $_size__tile_overlayer_lowered;
	s6 =	simm.s32 $_tile_overlayer_lowered  }
0x13: {  	s23 =	simm.s32 $0x1BFF;
	s22 =	sshll.u32 s6, $0x1;
	s3 =	sadd.s32 s4, s20  }
0x14: {  	s7 =	simm.s32 $0x0;
	s21 =	sshll.u32 s5, $0x1;
	s5 =	sadd.s32 s22, s3  }
0x15: {  	[timem:s7], [sflag:s23] =	dma.local [hbm:s5], s21  }
0x16: {  	_ =	swait.ge [sflag:s23], s21  }
0x17: {  	s4 =	ssub.s32 $0x0, s21;
	[sflag:s23] =	ssyncset.done $0x0  }
0x18: {  	[sflag:s23] =	ssyncadd.s32 s4;
	_ =	sdelay $0x1  }
0x19: {  	s24 =	simm.s32 $0x1B8B  }
0x1a: {  	_ =	swait.ge [sflag:s24], $0x1  }
0x1b: {  	[sflag:s24] =	ssyncset.done $0x0  }
0x1c: {  	s26 =	simm.s32 $0x1B8E;
	s25 =	sld [smem:$0x3FFE];
	[sflag:s24] =	ssyncadd.s32 $0xFFFFFFFF  }
0x1d: {  	s27 =	simm.s32 $execute0_lowered;
	[smem:$0x3FD2] =	sst s26  }
0x1e: {  	s5 =	sshll.u32 s27, $0x1;
	_ =	strace $0x80000049;
	[dreg:$0x1] =	wrdreg $0xFFFFFFFF  }
0x1f: {  	s28 =	simm.s32 $_size_execute0_lowered;
	s3 =	sadd.s32 s3, s5;
	[dreg:$0x0] =	wrdreg $0x0  }
0x20: {  	s5 =	sshll.u32 s28, $0x1;
	[dreg:$0x2] =	wrdreg s3  }
0x21: {  	[dreg:$0x3] =	wrdreg s5  }
0x22: {  	[dreg:$0x4] =	wrdreg $0xC0  }
0x23: {  	_ =	task [dreg:s7], $0x5FFFF  }
0x24: {  	[dreg:$0x1] =	wrdreg $0xFFFFFFFF  }
0x25: {  	[dreg:$0x0] =	wrdreg $0x60  }
0x26: {  	[dreg:$0x2] =	wrdreg s25  }
0x27: {  	[dreg:$0x3] =	wrdreg s2  }
0x28: {  	[dreg:$0x4] =	wrdreg $0x9  }
0x29: {  	_ =	task.clear_ibuf [dreg:s7], $0x5FFFF;
	_ =	strace $0x90000049  }
0x2a: {  	s29 =	simm.s32 $0x9;
	_ =	strace $0x8000004B  }
0x2b: {  	_ =	swait.ge [sflag:s29], $0x1  }
0x2c: {  	[sflag:s29] =	ssyncadd.s32 $0xFFFFFFFF  }
0x2d: {  	_ =	strace $0x9000004B  }
0x2e: {  	_ =	sfence  }
0x2f: {  	s30 =	sld [smem:$0x0];
	_ =	sdelay $0x2  }
0x30: {  	s31 =	sshll.u32 s1, $0xD;
	s1 =	sshrl.u32 s1, $0x2  }
0x31: {  	s3 =	sand.u32 $0x4000, s31;
	s1 =	sadd.s32 s1, s30  }
0x32: {  	s0 =	sor.u32 s3, s0;
	s1 =	sshll.u32 s1, $0x11  }
0x33: {  	s0 =	sor.u32 s1, s0  }
0x34: {  	s0 =	sadd.s32 $0x8F2B, s0  }
0x35: {  	[sflag:s0] =	ssyncadd.remote.s32 $0x1  }
0x36: {  	_ =	sfence.sel $0xFFFF  }
0x37: {  	[dreg:$0x0] =	wrdreg $0xFFFFFFFF;
	(pc) =	sbr.abs _section_cstart, $3  }
0x38: {  	[dreg:$0x1] =	wrdreg $0xFFFFFFFF  }
0x39: {  	_ =	task.clear_ibuf [dreg:s7], $0x2FFFF;
	_ =	strace $0x9FFFFFFF  }
0x3a: {  	(tm) =	ssettm $0x7FFFFFFF  }
0x3b: {  	_ =	shalt  }
tec
execute0_lowered:
.L_overlay_start_1:
0x0: {  	(tag) =	ssettag $0x1  }
0x1: {  	s0 =	srdreg.scid  }
0x2: {  	s1 =	sshll.u32 s0, $0x4  }
0x3: {  	s0 =	stileid.u32;
	s1 =	sand.u32 $0x10, s1  }
0x4: {  	s1 =	sor.u32 s0, s1  }
0x5: {  	s6 =	rddreg [dreg:$0x0];
	s4 =	simm.s32 $0x1;
	s2 =	sshll.u32 s1, $0x7  }
0x6: {  	s7 =	simm.s32 $0x2;
	s12 =	simm.s32 $0x0;
	s1 =	ssub.s32 $0x1000, s2  }
0x7: {  	s8 =	simm.s32 $0x8000;
	s13 =	simm.s32 $0x0;
	s3 =	sand.u32 $0xF80, s1  }
0x8: {  	s9 =	simm.s32 $0x0;
	s5 =	sshrl.u32 s1, $0xC;
	p0 =	sne.s32 s3, $0x0  }
.Ltmp0:
0x9: {  	s1 =	rddreg [dreg:$0x2];
	s4 =	simm.s32 @!p0 $0x0;
	(pc) =	sbr.rel .LBB1_1-.Ltmp0, $4  }
0xa: {  	s11 =	simm.s32 $0x0;
	s3 =	rddreg [dreg:$0x1];
	s5 =	sadd.s32 s4, s5  }
0xb: {  	_ =	strace $0x8000004A;
	s4 =	simm.s32 $0x1;
	s5 =	smul.u32 $0xC8, s5  }
0xc: {  	s6 =	sadd.s32 $0xF42C00, s6;
	s10 =	smov.u32 s2;
	[sflag:s4] =	ssyncpa.u1 $0x0  }
0xd: {  	p0 =	por $0x0, $0x0;
	[sflag:s7] =	ssyncpa.u1 $0x0;
	s7 =	sor.u32 $0x1, s5  }
.LBB1_4:
0xe: {  	s16 =	sshll.u32 s13, $0x3;
	s17 =	sand.u32 $0x78, s13  }
0xf: {  	s30 =	sand.u32 $0x7E00, s13;
	s12 =	sshll.u32 s12, $0xF;
	s16 =	sand.u32 $0xC00, s16  }
0x10: {  	[tilespmem:s15+$0x810 ss:$0x81] =	vst.msk $0xffff, v2;
	s31 =	sand.u32 $0x7, s13;
	s16 =	sor.u32 s17, s16;
	s17 =	sadd.s32 s3, s30  }
0x11: {  	[tilespmem:s15+$0x1020 ss:$0x81] =	vst.msk $0xffff, v0;
	s13 =	sshll.u32 s31, $0x12;
	s12 =	sadd.s32 s12, s17;
	s16 =	sshrl.u32 s16, $0x3  }
0x12: {  	[tilespmem:s15+$0x0 ss:$0x81] =	vst.msk $0xffff, v1;
	s13 =	sor.u32 $0x400, s13;
	s12 =	sadd.s32 s16, s12  }
0x13: {  	[hbm4b:s12+s13] =	stream.strided.scatter [tilespmem:s14], [sflag:$0x2], $0x2000, s8, s13, $0x20;
	[tilespmem:$0x8080] =	vst v63  }
.LBB1_5:
0x14: {  	s14 =	sadd.s32 $0x1, s9  }
0x15: {  	s12 =	sadd.s32 $0x1000, s10;
	s16 =	smov.u32 s10;
	p2 =	sgt.s32 s14, $0xC7  }
0x16: {  	s16 =	smov.u32 @p2 s12  }
0x17: {  	s14 =	simm.s32 @p2 $0x0;
	p2 =	sgt.s32 s16, $0xFFF  }
0x18: {  	s16 =	smov.u32 @p2 s2;
	p2 =	sne.s32 s11, s7  }
.Ltmp1:
0x19: {  	p1 =	slt.u32 s11, $0x2;
	(pc) =	sbr.rel @!p2 .LBB1_6-.Ltmp1, $4  }
0x1a: {  	s15 =	simm.s32 @!p1 $0x2  }
0x1b: {  	s13 =	smov.u32 s10;
	p0 =	por !p0, !p0;
	_ =	swait.ge @!p1 [sflag:s15], $0x2000  }
0x1c: {  	s12 =	smov.u32 s9;
	[sflag:s15] =	ssyncset.done @!p1 $0x0;
	s9 =	smov.u32 s14  }
0x1d: {  	s11 =	sadd.s32 $0x1, s11;
	[sflag:s15] =	ssyncadd.s32 @!p1 $0xFFFFE000;
	s10 =	smov.u32 s16  }
.LBB1_1:
0x1e: {  	p1 =	sge.u32 s11, s5  }
0x1f: {  	s14 =	sand.u32 @!p1 $0x1FFFFFF, s9  }
0x20: {  	s15 =	smulhi.u32 @!p1 $0x147AE15, s14;
	_ =	sdelay $0x1  }
0x21: {  	s15 =	smul.u32 @!p1 $0xC8, s15  }
0x22: {  	s16 =	sxor.u32 @!p1 $0xFFFFFFFF, s11;
	s17 =	smul.u32 @!p1 $0xC80, s10  }
0x23: {  	s31 =	sadd.s32 $0xFFFFFFFF, s11;
	s16 =	sshll.u32 @!p1 s16, $0xD;
	s14 =	ssub.s32 @!p1 s14, s15  }
0x24: {  	s15 =	sand.u32 @!p1 $0x2000, s16;
	s16 =	sadd.s32 @!p1 s6, s17;
	s14 =	sshll.u32 @!p1 s14, $0x4  }
0x25: {  	s17 =	simm.s32 @!p1 $0x6400;
	s14 =	sadd.s32 @!p1 s14, s16;
	s16 =	simm.s32 @!p1 $0x40  }
0x26: {  	[tilespmem:s15], [sflag:$0x1] =	stream.strided.gather @!p1 [hbm4b:s14+s16], $0x2000, s17, s16, $0x38;
	[tilespmem:$0x8080] =	vst v63  }
0x27: {  	p1 =	sge.u32 s31, s5  }
.Ltmp2:
0x28: {  	_ = 	snop;
	(pc) =	sbr.rel @p1 .LBB1_5-.Ltmp2, $1  }
0x29: {  	_ =	sdelay $0x3  }
0x2a: {  	s14 =	simm.s32 $0x1  }
0x2b: {  	_ =	swait.ge [sflag:s4], $0x2000;
	s14 =	simm.s32 @!p0 $0x0  }
0x2c: {  	[sflag:s4] =	ssyncset.done $0x0;
	s15 =	sshll.u32 s14, $0xD  }
0x2d: {  	[sflag:s4] =	ssyncadd.s32 $0xFFFFE000;
	s18 =	sor.u32 $0x20, s15  }
0x2e: {  	s14 =	smul.u32 $0x8100, s14;
	v3 =	vld [tilespmem:s18+$0x10]  }
0x2f: {  	s30 =	sand.u32 $0x1, s11;
	v2 =	vld [tilespmem:s18+$0xFFFFFFF0]  }
0x30: {  	s15 =	smul.u32 $0x8100, s30;
	s14 =	sshrl.u32 s14, $0x2;
	v0 =	vld [tilespmem:s18+$0x0]  }
0x31: {  	v1 =	vld [tilespmem:s18+$0xFFFFFFE0];
	s16 =	sor.u32 $0x4000, s14  }
0x32: {  	s31 =	sshrl.u32 s15, $0x2;
	s15 =	sadd.s32 $0x0, s16  }
0x33: {  	s17 =	simm.s32 $0x4;
	s18 =	sadd.s32 $0x40, s18;
	s14 =	sor.u32 $0x4000, s31;
	[tilespmem:s15+$0x1830 ss:$0x81] =	vst.msk $0xffff, v3  }
.LBB1_3:
0x34: {  	v3 =	vld [tilespmem:s18+$0x10];
	p1 =	sne.s32 s17, $0x1FC;
	[tilespmem:s15+$0x810 ss:$0x81] =	vst.msk $0xffff, v2;
	s19 =	smov.u32 s17;
	s17 =	sadd.s32 $0x4, s17  }
.Ltmp3:
0x35: {  	v2 =	vld [tilespmem:s18+$0xFFFFFFF0];
	[tilespmem:s15+$0x1020 ss:$0x81] =	vst.msk $0xffff, v0;
	(pc) =	sbr.rel @p1 .LBB1_3-.Ltmp3, $4  }
0x36: {  	v0 =	vld [tilespmem:s18+$0x0];
	[tilespmem:s15+$0x0 ss:$0x81] =	vst.msk $0xffff, v1  }
0x37: {  	s15 =	sshra.s32 s19, $0x2;
	v1 =	vld [tilespmem:s18+$0xFFFFFFE0]  }
0x38: {  	s15 =	sadd.s32 s15, s16  }
0x39: {  	s18 =	sadd.s32 $0x40, s18;
	[tilespmem:s15+$0x1830 ss:$0x81] =	vst.msk $0xffff, v3  }
.Ltmp4:
0x3a: {  	_ = 	snop;
	(pc) =	sbr.rel .LBB1_4-.Ltmp4, $1  }
0x3b: {  	_ =	sdelay $0x3  }
.LBB1_6:
0x3c: {  	_ =	sfence.sel $0x180000  }
0x3d: {  	s2 =	simm.s32 $0x1;
	[bflag:$0x0] =	sbarrier.arrive $0xFFFF  }
0x3e: {  	s31 =	simm.s32 $0x2;
	[sflag:s2] =	ssyncpa.u1 $0x1  }
0x3f: {  	[sflag:s31] =	ssyncpa.u1 $0x1  }
0x40: {  	p0 =	sne.s32 s0, $0x0;
	_ =	strace $0x9000004A  }
0x41: {  	s0 =	sadd.s32 @!p0 $0x100000, s1;
	[bflag:$0x2] =	sbarrier.arrive $0xFFFF  }
0x42: {  	[sflag:s0] =	ssyncadd.tile.s32 @!p0 $0x1;
	_ =	shalt  }
.Lfunc_end1:
_tile_overlayer_lowered:
.L_overlay_start_2:
0x43: {  	(tag) =	ssettag $0x2  }
0x44: {  	s0 =	rddreg [dreg:$0x0];
	s2 =	stileid.u32  }
0x45: {  	s1 =	rddreg [dreg:$0x1];
	p0 =	sne.s32 s2, $0x0  }
0x46: {  	s3 =	rddreg [dreg:$0x2];
	[bflag:$0x3] =	sbarrier.arrive $0xFFFF;
	s2 =	simm.s32 @!p0 $0x1C01  }
0x47: {  	[timem:s3], [sflag:s2] =	dma.local @!p0 [hbm:s0], s1  }
0x48: {  	s0 =	simm.s32 @!p0 $0x1  }
0x49: {  	_ =	swait.ge @!p0 [sflag:s0], s1  }
0x4a: {  	s1 =	ssub.s32 @!p0 $0x0, s1;
	[sflag:s0] =	ssyncset.done @!p0 $0x0  }
0x4b: {  	[sflag:s0] =	ssyncadd.s32 @!p0 s1  }
0x4c: {  	[bflag:$0x3] =	sbarrier.arrive $0xFFFF  }
0x4d: {  	_ =	shalt  }

</sc_bundles>
